<compile_context>
chip_gen: v7x
topology: tpu7x:2x2x1
jax: 0.10.2.dev20260603
libtpu: 0.0.44.dev20260713+nightly
codegen_flags: <defaults>
</compile_context>

<pallas_src>
import functools

import jax
import jax.numpy as jnp
import numpy as np
from jax import lax
from jax.experimental import pallas as pl
from jax.experimental.pallas import tpu as pltpu
from jax.experimental.pallas import tpu_sc as plsc

_NPOINT = 512
_NSAMPLE = 32
_RADIUS2 = np.float32(0.2 ** 2)
_TS = 512
_NW = 32
_CH = 128


def _fps_body(xt_ref, out_ref):
    B = xt_ref.shape[0]
    N = xt_ref.shape[2]
    R = N // 128
    xs, ys, zs, xall = [], [], [], []
    for b in range(B):
        x = xt_ref[b, 0, :].reshape(R, 128)
        y = xt_ref[b, 1, :].reshape(R, 128)
        z = xt_ref[b, 2, :].reshape(R, 128)
        xs.append(x); ys.append(y); zs.append(z)
        xall.append(jnp.concatenate([x, y, z], axis=1))
    rowiota = lax.broadcasted_iota(jnp.int32, (R, 128), 0)
    lane = lax.broadcasted_iota(jnp.int32, (1, 128), 1)
    rowc = lax.broadcasted_iota(jnp.int32, (R, 1), 0)
    oh0 = (lane == 0).astype(jnp.float32)
    oh1 = (lane == 1).astype(jnp.float32)
    oh2 = (lane == 2).astype(jnp.float32)

    def gather3(nxt, b):
        r = lax.shift_right_logical(nxt, 7)
        l = jnp.bitwise_and(nxt, 127)
        oneR = (rowc == r).astype(jnp.float32)
        oneL = (lane == l).astype(jnp.float32)
        tmp = jnp.sum(xall[b] * oneR, axis=0, keepdims=True)
        cx = jnp.sum(tmp[:, :128] * oneL, axis=1, keepdims=True)
        cy = jnp.sum(tmp[:, 128:256] * oneL, axis=1, keepdims=True)
        cz = jnp.sum(tmp[:, 256:] * oneL, axis=1, keepdims=True)
        return cx, cy, cz

    dist0, c0 = [], []
    for b in range(B):
        dist0.append(jnp.full((R, 128), 1e10, jnp.float32))
        c0.append((xs[b][0:1, 0:1], ys[b][0:1, 0:1], zs[b][0:1, 0:1]))

    def body(i, carry):
        new = []
        for b in range(B):
            dist, (cx, cy, cz) = carry[b]
            row = cx * oh0 + cy * oh1 + cz * oh2
            out_ref[b, pl.ds(i - 1, 1), :] = row
            dx = xs[b] - cx
            dy = ys[b] - cy
            dz = zs[b] - cz
            d = dx * dx + dy * dy
            d = d + dz * dz
            dist = jnp.minimum(dist, d)
            m_col = jnp.max(dist, axis=0, keepdims=True)
            r_l = jnp.min(jnp.where(dist == m_col, rowiota, R),
                          axis=0, keepdims=True)
            m = jnp.max(m_col, axis=1, keepdims=True)
            key = jnp.where(m_col == m, r_l * 128 + lane, N)
            nxt = jnp.min(key, axis=1, keepdims=True)
            new.append((dist, gather3(nxt, b)))
        return tuple(new)

    carry = lax.fori_loop(1, _NPOINT, body,
                          tuple((dist0[b], c0[b]) for b in range(B)))
    for b in range(B):
        _, (cx, cy, cz) = carry[b]
        row = cx * oh0 + cy * oh1 + cz * oh2
        out_ref[b, pl.ds(_NPOINT - 1, 1), :] = row


def _fps(xt):
    B, _, N = xt.shape
    return pl.pallas_call(
        _fps_body,
        out_shape=jax.ShapeDtypeStruct((B, _NPOINT, 128), jnp.float32),
    )(xt)


def _bq_body(xyz_ref, nt_ref, out_ref):
    N = xyz_ref.shape[1]
    W = N // 32
    x = xyz_ref[0, :, 0:1]
    y = xyz_ref[0, :, 1:2]
    z = xyz_ref[0, :, 2:3]
    cx = nt_ref[0, 0, :][None, :]
    cy = nt_ref[0, 1, :][None, :]
    cz = nt_ref[0, 2, :][None, :]
    dx = cx - x
    dy = cy - y
    dz = cz - z
    d2 = dx * dx + dy * dy
    d2 = d2 + dz * dz
    sub = lax.broadcasted_iota(jnp.int32, (N, 1), 0)
    pw = jnp.left_shift(jnp.int32(1), jnp.bitwise_and(sub, 31))
    bits = jnp.where(d2 < _RADIUS2, pw, 0)
    words = jnp.sum(bits.reshape(W, 32, _TS), axis=1)
    rowbase = lax.broadcasted_iota(jnp.int32, (W, _TS), 0) * 32
    rowi = lax.broadcasted_iota(jnp.int32, (W, _TS), 0)
    cols = []
    first = None
    for k in range(_NSAMPLE):
        b = jnp.bitwise_and(words, -words)
        e = lax.shift_right_logical(
            lax.bitcast_convert_type(b.astype(jnp.float32), jnp.int32), 23)
        bit = jnp.bitwise_and(e, 255) - 127
        cand = jnp.where(words != 0, rowbase + bit, N)
        v = jnp.min(cand, axis=0, keepdims=True)
        if k == 0:
            first = v
            cols.append(v)
        else:
            cols.append(jnp.where(v == N, first, v))
        wsel = rowi == lax.shift_right_logical(v, 5)
        pat = jnp.left_shift(jnp.int32(1), jnp.bitwise_and(v, 31))
        words = jnp.where(wsel, jnp.bitwise_xor(words, pat), words)
    out_ref[0] = jnp.concatenate(cols, axis=0)


def _ball_query(xyz, nt):
    B, N, _ = xyz.shape
    S = nt.shape[2]
    return pl.pallas_call(
        _bq_body,
        grid=(B, S // _TS),
        in_specs=[
            pl.BlockSpec((1, N, 3), lambda b, t: (b, 0, 0)),
            pl.BlockSpec((1, 3, _TS), lambda b, t: (b, 0, t)),
        ],
        out_specs=pl.BlockSpec((1, _NSAMPLE, _TS), lambda b, t: (b, 0, t)),
        out_shape=jax.ShapeDtypeStruct((B, _NSAMPLE, S), jnp.int32),
    )(xyz, nt)


def _sc_gather(tbl, idxg):
    total = idxg.shape[0]
    d = tbl.shape[1]
    per_w = total // _NW
    n_ch = per_w // _CH
    mesh = plsc.VectorSubcoreMesh(core_axis_name="c", subcore_axis_name="s")

    @functools.partial(
        pl.kernel,
        mesh=mesh,
        out_type=jax.ShapeDtypeStruct((total, d), jnp.float32),
        scratch_types=[
            pltpu.VMEM((_CH,), jnp.int32),
            pltpu.VMEM((_CH, d), jnp.float32),
            pltpu.SemaphoreType.DMA,
        ],
    )
    def gk(tbl_hbm, idx_hbm, out_hbm, idx_v, rows_v, sem):
        wid = lax.axis_index("s") * 2 + lax.axis_index("c")
        base = wid * per_w

        def step(j, carry):
            off = base + j * _CH
            pltpu.sync_copy(idx_hbm.at[pl.ds(off, _CH)], idx_v)
            pltpu.async_copy(tbl_hbm.at[idx_v], rows_v, sem).wait()
            pltpu.sync_copy(rows_v, out_hbm.at[pl.ds(off, _CH)])
            return carry

        lax.fori_loop(0, n_ch, step, 0)

    return gk(tbl, idxg)


def _mlp_body(g_ref, nx_ref, w1_ref, w1c_ref, b1_ref, w2_ref, b2_ref,
              w3_ref, b3_ref, out_ref):
    K = _NSAMPLE
    g = g_ref[0]
    h = jnp.dot(g, w1_ref[...], preferred_element_type=jnp.float32)
    c = nx_ref[0]
    ct = jnp.dot(c, w1c_ref[...], preferred_element_type=jnp.float32)
    h = h.reshape(_TS, K, h.shape[-1]) - ct[:, None, :]
    h = jnp.maximum(h + b1_ref[...][None], 0.0)
    h = h.reshape(_TS * K, h.shape[-1])
    h = jnp.maximum(
        jnp.dot(h, w2_ref[...], preferred_element_type=jnp.float32)
        + b2_ref[...], 0.0)
    h = jnp.maximum(
        jnp.dot(h, w3_ref[...], preferred_element_type=jnp.float32)
        + b3_ref[...], 0.0)
    out_ref[0] = jnp.max(h.reshape(_TS, K, h.shape[-1]), axis=1)


def _mlp(g, nxp, wbig, w1c, b1, w2, b2, w3, b3):
    B = g.shape[0]
    S = nxp.shape[1]
    D = g.shape[2]
    C3 = w3.shape[1]
    full = lambda shp: pl.BlockSpec(shp, lambda b, t: tuple(0 for _ in shp))
    return pl.pallas_call(
        _mlp_body,
        grid=(B, S // _TS),
        in_specs=[
            pl.BlockSpec((1, _TS * _NSAMPLE, D), lambda b, t: (b, t, 0)),
            pl.BlockSpec((1, _TS, 8), lambda b, t: (b, t, 0)),
            full(wbig.shape),
            full(w1c.shape),
            full(b1.shape),
            full(w2.shape),
            full(b2.shape),
            full(w3.shape),
            full(b3.shape),
        ],
        out_specs=pl.BlockSpec((1, _TS, C3), lambda b, t: (b, t, 0)),
        out_shape=jax.ShapeDtypeStruct((B, S, C3), jnp.float32),
    )(g, nxp, wbig, w1c, b1, w2, b2, w3, b3)


def kernel(xyz, features, W1, b1, W2, b2, W3, b3):
    B, N, _ = xyz.shape
    C = features.shape[1]
    S, K = _NPOINT, _NSAMPLE
    f32 = jnp.float32

    xt = jnp.transpose(xyz, (0, 2, 1))
    nx_pad = _fps(xt)
    new_xyz = nx_pad[:, :, :3]
    nt = jnp.transpose(new_xyz, (0, 2, 1))
    idx = jnp.transpose(_ball_query(xyz, nt), (0, 2, 1))

    pad = (-(C + 3)) % 128
    D = C + 3 + pad
    feats_t = jnp.transpose(features, (0, 2, 1))
    tbl = jnp.concatenate(
        [feats_t, xyz, jnp.zeros((B, N, pad), f32)], axis=-1
    ).reshape(B * N, D)
    idxg = (idx + (jnp.arange(B, dtype=jnp.int32) * N)[:, None, None]
            ).reshape(-1)
    g = _sc_gather(tbl, idxg).reshape(B, S * K, D)

    nxp = jnp.concatenate([new_xyz, jnp.zeros((B, S, 5), f32)], axis=-1)
    wbig = jnp.concatenate(
        [W1[3:], W1[:3], jnp.zeros((pad, W1.shape[1]), f32)], axis=0)
    w1c = jnp.concatenate([W1[:3], jnp.zeros((5, W1.shape[1]), f32)], axis=0)
    out = _mlp(g, nxp, wbig, w1c, b1.reshape(1, -1), W2, b2.reshape(1, -1),
               W3, b3.reshape(1, -1))
    new_features = jnp.transpose(out, (0, 2, 1))
    return (new_xyz, new_features)

# --- scband reference (transcript-rebuilt; emitter-appended) ---
"""Pipeline reference for scband-pointnet-samodule-base-15762529976895 (READ-ONLY COPY).

The authoritative reference and input builder live on the scoring server;
editing this copy changes nothing except your own understanding.
"""

import jax, jax.numpy as jnp
import numpy as np

B, N, C_IN = 4, 8192, 64
NPOINT, RADIUS, NSAMPLE = 512, 0.2, 32
MLP = [C_IN + 3, 64, 64, 128]


def furthest_point_sample(xyz, npoint):
    Bn, Nn, _ = xyz.shape
    inds0 = jnp.zeros((Bn, npoint), dtype=jnp.int32)
    dist0 = jnp.full((Bn, Nn), 1e10, dtype=xyz.dtype)

    def body(i, state):
        dist, inds = state
        last = inds[:, i - 1]
        centroid = jnp.take_along_axis(xyz, last[:, None, None], axis=1)
        d = jnp.sum((xyz - centroid) ** 2, axis=-1)
        dist = jnp.minimum(dist, d)
        nxt = jnp.argmax(dist, axis=-1).astype(jnp.int32)
        inds = inds.at[:, i].set(nxt)
        return (dist, inds)

    _, inds = jax.lax.fori_loop(1, npoint, body, (dist0, inds0))
    return inds


def ball_query(xyz, new_xyz, radius, nsample):
    Nn = xyz.shape[1]
    d2 = jnp.sum((new_xyz[:, :, None, :] - xyz[:, None, :, :]) ** 2, axis=-1)
    cand = jnp.where(d2 < radius ** 2, jnp.arange(Nn)[None, None, :], Nn)
    srt = jnp.sort(cand, axis=-1)[:, :, :nsample]
    first = srt[:, :, :1]
    idx = jnp.where(srt == Nn, first, srt)
    return jnp.minimum(idx, Nn - 1).astype(jnp.int32)


def setup_inputs(seed: int = 0):
    key = jax.random.key(seed)
    ks = jax.random.split(key, 8)
    xyz = jax.random.uniform(ks[0], (B, N, 3), dtype=jnp.float32)
    features = jax.random.normal(ks[1], (B, C_IN, N), dtype=jnp.float32)
    W1 = jax.random.normal(ks[2], (MLP[0], MLP[1]), dtype=jnp.float32) * 0.05
    b1 = jnp.zeros((MLP[1],), jnp.float32)
    W2 = jax.random.normal(ks[3], (MLP[1], MLP[2]), dtype=jnp.float32) * 0.05
    b2 = jnp.zeros((MLP[2],), jnp.float32)
    W3 = jax.random.normal(ks[4], (MLP[2], MLP[3]), dtype=jnp.float32) * 0.05
    b3 = jnp.zeros((MLP[3],), jnp.float32)
    return {"xyz": xyz, "features": features, "W1": W1, "b1": b1, "W2": W2, "b2": b2, "W3": W3, "b3": b3}


def reference(xyz, features, W1, b1, W2, b2, W3, b3):
    # furthest point sampling -> centroid indices (new_inds)
    inds = furthest_point_sample(xyz, NPOINT)
    # gather_nd(xyz_flipped, new_inds) -> new_xyz [B, npoint, 3]
    new_xyz = jnp.take_along_axis(xyz, inds[:, :, None], axis=1)
    # grouper: ball query + grouping (QueryAndGroup with use_xyz=True)
    idx = ball_query(xyz, new_xyz, RADIUS, NSAMPLE)
    batch = jnp.arange(xyz.shape[0])[:, None, None]
    grouped_xyz = xyz[batch, idx] - new_xyz[:, :, None, :]  # [B, S, K, 3]
    feats = jnp.transpose(features, (0, 2, 1))  # [B, N, C]
    grouped = jnp.concatenate([grouped_xyz, feats[batch, idx]], axis=-1)  # [B, S, K, 3+C]
    # shared MLP (1x1 conv equivalents) + ReLU
    h = jax.nn.relu(grouped @ W1 + b1)
    h = jax.nn.relu(h @ W2 + b2)
    h = jax.nn.relu(h @ W3 + b3)
    # max_pool2d over nsample dim, squeeze -> [B, C_out, S]
    new_features = jnp.transpose(jnp.max(h, axis=2), (0, 2, 1))
    return (new_xyz, new_features)

if __name__ == "__main__":
    import jax
    _d = setup_inputs()
    print(jax.jit(kernel)(*tuple(_d.values())))

</pallas_src>

<mosaic_0001>
#map = affine_map<(d0, d1) -> (0, 0)>
#map1 = affine_map<(d0, d1) -> (0)>
module attributes {stable_mosaic.version = 14 : i64} {
  func.func @gk(%arg0: i32, %arg1: i32, %arg2: memref<32768x128xf32, #tpu.memory_space<hbm>>, %arg3: memref<65536xi32, #tpu.memory_space<hbm>>, %arg4: memref<65536x128xf32, #tpu.memory_space<hbm>>, %arg5: memref<128xi32, #tpu.memory_space<vmem>>, %arg6: memref<128x128xf32, #tpu.memory_space<vmem>>, %arg7: memref<!tpu.dma_semaphore, #tpu.memory_space<semaphore_mem>>) attributes {dimension_semantics = [#tpu.dimension_semantics<core_parallel>, #tpu.dimension_semantics<subcore_parallel>], iteration_bounds = array<i64: 2, 16>, scalar_prefetch = 0 : i64, scratch_operands = 3 : i64, tpu.core_type = #tpu.core_type<sc_vector_subcore>, window_params = [{transform_indices = #map}, {transform_indices = #map1}, {transform_indices = #map}]} {
    %mul3A = arith.constant 2 : i32
    %mul3A_0 = arith.muli %arg1, %mul3A : i32
    %add3A = arith.addi %mul3A_0, %arg0 : i32
    %mul3A_1 = arith.constant 2048 : i32
    %mul3A_2 = arith.muli %add3A, %mul3A_1 : i32
    %scan3A = arith.constant 0 : i32
    %scan3A_3 = arith.constant 0 : i32
    %scan3A_4 = arith.constant 16 : i32
    %scan3A_5 = arith.addi %scan3A_3, %scan3A_4 : i32
    %scan3A_6 = arith.constant 1 : i32
    scf.for %scan3A_8 = %scan3A_3 to %scan3A_5 step %scan3A_6  : i32 {
      %mul3A_9 = arith.constant 128 : i32
      %mul3A_10 = arith.muli %scan3A_8, %mul3A_9 : i32
      %add3A_11 = arith.addi %mul3A_2, %mul3A_10 : i32
      "tpu.region"() ({
        %run_scoped3A = tpu.sem_alloc : memref<!tpu.dma_semaphore, #tpu.memory_space<semaphore_mem>>
        %dma_start3A_16 = tpu.memref_slice %arg3[%add3A_11] : memref<65536xi32, #tpu.memory_space<hbm>> -> memref<128xi32, #tpu.memory_space<hbm>>
        %dma_start3A_17 = tpu.memref_slice %arg3[%add3A_11] : memref<65536xi32, #tpu.memory_space<hbm>> -> memref<128xi32, #tpu.memory_space<hbm>>
        tpu.enqueue_dma source(%dma_start3A_17 : memref<128xi32, #tpu.memory_space<hbm>>) target(%arg5 : memref<128xi32, #tpu.memory_space<vmem>>) target_semaphore(%run_scoped3A : memref<!tpu.dma_semaphore, #tpu.memory_space<semaphore_mem>>)
        %dma_wait3A_18 = tpu.memref_slice %arg3[%add3A_11] : memref<65536xi32, #tpu.memory_space<hbm>> -> memref<128xi32, #tpu.memory_space<hbm>>
        %dma_wait3A_19 = tpu.memref_slice %arg3[%add3A_11] : memref<65536xi32, #tpu.memory_space<hbm>> -> memref<128xi32, #tpu.memory_space<hbm>>
        tpu.wait_dma2 semaphore(%run_scoped3A : memref<!tpu.dma_semaphore, #tpu.memory_space<semaphore_mem>>) src(%dma_wait3A_19 : memref<128xi32, #tpu.memory_space<hbm>>) dst(%arg5 : memref<128xi32, #tpu.memory_space<vmem>>)
        tpu.yield
      }) : () -> ()
      %dma_start3A = arith.constant 0 : i32
      %dma_start3A_12 = arith.constant 0 : i32
      %dma_start3A_13 = tpu.memref_slice %arg2[%dma_start3A, %dma_start3A_12] : memref<32768x128xf32, #tpu.memory_space<hbm>> -> memref<32768x128xf32, #tpu.memory_space<hbm>>
      tpu.enqueue_indirect_dma source(%dma_start3A_13 : memref<32768x128xf32, #tpu.memory_space<hbm>>) target(%arg6 : memref<128x128xf32, #tpu.memory_space<vmem>>) offsets(%arg5 : memref<128xi32, #tpu.memory_space<vmem>>) semaphore(%arg7 : memref<!tpu.dma_semaphore, #tpu.memory_space<semaphore_mem>>)
      %dma_wait3A = arith.constant 0 : i32
      %dma_wait3A_14 = arith.constant 0 : i32
      %dma_wait3A_15 = tpu.memref_slice %arg2[%dma_wait3A, %dma_wait3A_14] : memref<32768x128xf32, #tpu.memory_space<hbm>> -> memref<32768x128xf32, #tpu.memory_space<hbm>>
      tpu.wait_indirect_dma semaphore(%arg7 : memref<!tpu.dma_semaphore, #tpu.memory_space<semaphore_mem>>) src(%dma_wait3A_15 : memref<32768x128xf32, #tpu.memory_space<hbm>>) dst(%arg6 : memref<128x128xf32, #tpu.memory_space<vmem>>)
      "tpu.region"() ({
        %run_scoped3A = tpu.sem_alloc : memref<!tpu.dma_semaphore, #tpu.memory_space<semaphore_mem>>
        %dma_start3A_16 = arith.constant 0 : i32
        %dma_start3A_17 = tpu.memref_slice %arg4[%add3A_11, %dma_start3A_16] : memref<65536x128xf32, #tpu.memory_space<hbm>> -> memref<128x128xf32, #tpu.memory_space<hbm>>
        %dma_start3A_18 = arith.constant 0 : i32
        %dma_start3A_19 = tpu.memref_slice %arg4[%add3A_11, %dma_start3A_18] : memref<65536x128xf32, #tpu.memory_space<hbm>> -> memref<128x128xf32, #tpu.memory_space<hbm>>
        tpu.enqueue_dma source(%arg6 : memref<128x128xf32, #tpu.memory_space<vmem>>) target(%dma_start3A_19 : memref<128x128xf32, #tpu.memory_space<hbm>>) target_semaphore(%run_scoped3A : memref<!tpu.dma_semaphore, #tpu.memory_space<semaphore_mem>>)
        %dma_wait3A_20 = arith.constant 0 : i32
        %dma_wait3A_21 = tpu.memref_slice %arg4[%add3A_11, %dma_wait3A_20] : memref<65536x128xf32, #tpu.memory_space<hbm>> -> memref<128x128xf32, #tpu.memory_space<hbm>>
        %dma_wait3A_22 = arith.constant 0 : i32
        %dma_wait3A_23 = tpu.memref_slice %arg4[%add3A_11, %dma_wait3A_22] : memref<65536x128xf32, #tpu.memory_space<hbm>> -> memref<128x128xf32, #tpu.memory_space<hbm>>
        tpu.wait_dma2 semaphore(%run_scoped3A : memref<!tpu.dma_semaphore, #tpu.memory_space<semaphore_mem>>) src(%arg6 : memref<128x128xf32, #tpu.memory_space<vmem>>) dst(%dma_wait3A_23 : memref<128x128xf32, #tpu.memory_space<hbm>>)
        tpu.yield
      }) : () -> ()
    }
    %scan3A_7 = arith.constant 16 : i32
    return
  }
}

module attributes {stable_mosaic.version = 14 : i64} {
  func.func @_fps_body(%arg0: memref<4x3x8192xf32, #tpu.memory_space<vmem>>, %arg1: memref<4x512x128xf32, #tpu.memory_space<vmem>>) attributes {dimension_semantics = [], scalar_prefetch = 0 : i64, scratch_operands = 0 : i64, tpu.core_type = #tpu.core_type<tc>} {
    %get3A = arith.constant 0 : index
    %get3A_0 = arith.constant 0 : index
    %get3A_1 = arith.constant 0 : index
    %get3A_2 = vector.load %arg0[%get3A, %get3A_0, %get3A_1] : memref<4x3x8192xf32, #tpu.memory_space<vmem>>, vector<1x1x8192xf32>
    %get3A_3 = vector.shape_cast %get3A_2 : vector<1x1x8192xf32> to vector<8192xf32>
    %reshape3A = vector.shape_cast %get3A_3 : vector<8192xf32> to vector<64x128xf32>
    %get3A_4 = arith.constant 0 : index
    %get3A_5 = arith.constant 1 : index
    %get3A_6 = arith.constant 0 : index
    %get3A_7 = vector.load %arg0[%get3A_4, %get3A_5, %get3A_6] : memref<4x3x8192xf32, #tpu.memory_space<vmem>>, vector<1x1x8192xf32>
    %get3A_8 = vector.shape_cast %get3A_7 : vector<1x1x8192xf32> to vector<8192xf32>
    %reshape3A_9 = vector.shape_cast %get3A_8 : vector<8192xf32> to vector<64x128xf32>
    %get3A_10 = arith.constant 0 : index
    %get3A_11 = arith.constant 2 : index
    %get3A_12 = arith.constant 0 : index
    %get3A_13 = vector.load %arg0[%get3A_10, %get3A_11, %get3A_12] : memref<4x3x8192xf32, #tpu.memory_space<vmem>>, vector<1x1x8192xf32>
    %get3A_14 = vector.shape_cast %get3A_13 : vector<1x1x8192xf32> to vector<8192xf32>
    %reshape3A_15 = vector.shape_cast %get3A_14 : vector<8192xf32> to vector<64x128xf32>
    %concatenate3A = tpu.concatenate %reshape3A, %reshape3A_9, %reshape3A_15 in 1 : vector<64x128xf32>, vector<64x128xf32>, vector<64x128xf32> -> vector<64x384xf32>
    %get3A_16 = arith.constant 1 : index
    %get3A_17 = arith.constant 0 : index
    %get3A_18 = arith.constant 0 : index
    %get3A_19 = vector.load %arg0[%get3A_16, %get3A_17, %get3A_18] : memref<4x3x8192xf32, #tpu.memory_space<vmem>>, vector<1x1x8192xf32>
    %get3A_20 = vector.shape_cast %get3A_19 : vector<1x1x8192xf32> to vector<8192xf32>
    %reshape3A_21 = vector.shape_cast %get3A_20 : vector<8192xf32> to vector<64x128xf32>
    %get3A_22 = arith.constant 1 : index
    %get3A_23 = arith.constant 1 : index
    %get3A_24 = arith.constant 0 : index
    %get3A_25 = vector.load %arg0[%get3A_22, %get3A_23, %get3A_24] : memref<4x3x8192xf32, #tpu.memory_space<vmem>>, vector<1x1x8192xf32>
    %get3A_26 = vector.shape_cast %get3A_25 : vector<1x1x8192xf32> to vector<8192xf32>
    %reshape3A_27 = vector.shape_cast %get3A_26 : vector<8192xf32> to vector<64x128xf32>
    %get3A_28 = arith.constant 1 : index
    %get3A_29 = arith.constant 2 : index
    %get3A_30 = arith.constant 0 : index
    %get3A_31 = vector.load %arg0[%get3A_28, %get3A_29, %get3A_30] : memref<4x3x8192xf32, #tpu.memory_space<vmem>>, vector<1x1x8192xf32>
    %get3A_32 = vector.shape_cast %get3A_31 : vector<1x1x8192xf32> to vector<8192xf32>
    %reshape3A_33 = vector.shape_cast %get3A_32 : vector<8192xf32> to vector<64x128xf32>
    %concatenate3A_34 = tpu.concatenate %reshape3A_21, %reshape3A_27, %reshape3A_33 in 1 : vector<64x128xf32>, vector<64x128xf32>, vector<64x128xf32> -> vector<64x384xf32>
    %get3A_35 = arith.constant 2 : index
    %get3A_36 = arith.constant 0 : index
    %get3A_37 = arith.constant 0 : index
    %get3A_38 = vector.load %arg0[%get3A_35, %get3A_36, %get3A_37] : memref<4x3x8192xf32, #tpu.memory_space<vmem>>, vector<1x1x8192xf32>
    %get3A_39 = vector.shape_cast %get3A_38 : vector<1x1x8192xf32> to vector<8192xf32>
    %reshape3A_40 = vector.shape_cast %get3A_39 : vector<8192xf32> to vector<64x128xf32>
    %get3A_41 = arith.constant 2 : index
    %get3A_42 = arith.constant 1 : index
    %get3A_43 = arith.constant 0 : index
    %get3A_44 = vector.load %arg0[%get3A_41, %get3A_42, %get3A_43] : memref<4x3x8192xf32, #tpu.memory_space<vmem>>, vector<1x1x8192xf32>
    %get3A_45 = vector.shape_cast %get3A_44 : vector<1x1x8192xf32> to vector<8192xf32>
    %reshape3A_46 = vector.shape_cast %get3A_45 : vector<8192xf32> to vector<64x128xf32>
    %get3A_47 = arith.constant 2 : index
    %get3A_48 = arith.constant 2 : index
    %get3A_49 = arith.constant 0 : index
    %get3A_50 = vector.load %arg0[%get3A_47, %get3A_48, %get3A_49] : memref<4x3x8192xf32, #tpu.memory_space<vmem>>, vector<1x1x8192xf32>
    %get3A_51 = vector.shape_cast %get3A_50 : vector<1x1x8192xf32> to vector<8192xf32>
    %reshape3A_52 = vector.shape_cast %get3A_51 : vector<8192xf32> to vector<64x128xf32>
    %concatenate3A_53 = tpu.concatenate %reshape3A_40, %reshape3A_46, %reshape3A_52 in 1 : vector<64x128xf32>, vector<64x128xf32>, vector<64x128xf32> -> vector<64x384xf32>
    %get3A_54 = arith.constant 3 : index
    %get3A_55 = arith.constant 0 : index
    %get3A_56 = arith.constant 0 : index
    %get3A_57 = vector.load %arg0[%get3A_54, %get3A_55, %get3A_56] : memref<4x3x8192xf32, #tpu.memory_space<vmem>>, vector<1x1x8192xf32>
    %get3A_58 = vector.shape_cast %get3A_57 : vector<1x1x8192xf32> to vector<8192xf32>
    %reshape3A_59 = vector.shape_cast %get3A_58 : vector<8192xf32> to vector<64x128xf32>
    %get3A_60 = arith.constant 3 : index
    %get3A_61 = arith.constant 1 : index
    %get3A_62 = arith.constant 0 : index
    %get3A_63 = vector.load %arg0[%get3A_60, %get3A_61, %get3A_62] : memref<4x3x8192xf32, #tpu.memory_space<vmem>>, vector<1x1x8192xf32>
    %get3A_64 = vector.shape_cast %get3A_63 : vector<1x1x8192xf32> to vector<8192xf32>
    %reshape3A_65 = vector.shape_cast %get3A_64 : vector<8192xf32> to vector<64x128xf32>
    %get3A_66 = arith.constant 3 : index
    %get3A_67 = arith.constant 2 : index
    %get3A_68 = arith.constant 0 : index
    %get3A_69 = vector.load %arg0[%get3A_66, %get3A_67, %get3A_68] : memref<4x3x8192xf32, #tpu.memory_space<vmem>>, vector<1x1x8192xf32>
    %get3A_70 = vector.shape_cast %get3A_69 : vector<1x1x8192xf32> to vector<8192xf32>
    %reshape3A_71 = vector.shape_cast %get3A_70 : vector<8192xf32> to vector<64x128xf32>
    %concatenate3A_72 = tpu.concatenate %reshape3A_59, %reshape3A_65, %reshape3A_71 in 1 : vector<64x128xf32>, vector<64x128xf32>, vector<64x128xf32> -> vector<64x384xf32>
    %iota3A = tpu.iota {dimensions = array<i32: 0>} : vector<64x128xi32>
    %iota3A_73 = tpu.iota {dimensions = array<i32: 1>} : vector<1x128xi32>
    %iota3A_74 = tpu.iota {dimensions = array<i32: 0>} : vector<64x1xi32>
    %eq3A = arith.constant 0 : i32
    %eq3A_75 = vector.broadcast %eq3A : i32 to vector<1x128xi32>
    %eq3A_76 = arith.cmpi eq, %iota3A_73, %eq3A_75 : vector<1x128xi32>
    %convert_element_type3A = arith.extui %eq3A_76 : vector<1x128xi1> to vector<1x128xi32>
    %convert_element_type3A_77 = arith.sitofp %convert_element_type3A : vector<1x128xi32> to vector<1x128xf32>
    %eq3A_78 = arith.constant 1 : i32
    %eq3A_79 = vector.broadcast %eq3A_78 : i32 to vector<1x128xi32>
    %eq3A_80 = arith.cmpi eq, %iota3A_73, %eq3A_79 : vector<1x128xi32>
    %convert_element_type3A_81 = arith.extui %eq3A_80 : vector<1x128xi1> to vector<1x128xi32>
    %convert_element_type3A_82 = arith.sitofp %convert_element_type3A_81 : vector<1x128xi32> to vector<1x128xf32>
    %eq3A_83 = arith.constant 2 : i32
    %eq3A_84 = vector.broadcast %eq3A_83 : i32 to vector<1x128xi32>
    %eq3A_85 = arith.cmpi eq, %iota3A_73, %eq3A_84 : vector<1x128xi32>
    %convert_element_type3A_86 = arith.extui %eq3A_85 : vector<1x128xi1> to vector<1x128xi32>
    %convert_element_type3A_87 = arith.sitofp %convert_element_type3A_86 : vector<1x128xi32> to vector<1x128xf32>
    %broadcast_in_dim3A = arith.constant 1.000000e+10 : f32
    %broadcast_in_dim3A_88 = vector.broadcast %broadcast_in_dim3A : f32 to vector<64x128xf32>
    %slice3A = vector.extract_strided_slice %reshape3A {offsets = [0, 0], sizes = [1, 1], strides = [1, 1]} : vector<64x128xf32> to vector<1x1xf32>
    %slice3A_89 = vector.extract_strided_slice %reshape3A_9 {offsets = [0, 0], sizes = [1, 1], strides = [1, 1]} : vector<64x128xf32> to vector<1x1xf32>
    %slice3A_90 = vector.extract_strided_slice %reshape3A_15 {offsets = [0, 0], sizes = [1, 1], strides = [1, 1]} : vector<64x128xf32> to vector<1x1xf32>
    %broadcast_in_dim3A_91 = arith.constant 1.000000e+10 : f32
    %broadcast_in_dim3A_92 = vector.broadcast %broadcast_in_dim3A_91 : f32 to vector<64x128xf32>
    %slice3A_93 = vector.extract_strided_slice %reshape3A_21 {offsets = [0, 0], sizes = [1, 1], strides = [1, 1]} : vector<64x128xf32> to vector<1x1xf32>
    %slice3A_94 = vector.extract_strided_slice %reshape3A_27 {offsets = [0, 0], sizes = [1, 1], strides = [1, 1]} : vector<64x128xf32> to vector<1x1xf32>
    %slice3A_95 = vector.extract_strided_slice %reshape3A_33 {offsets = [0, 0], sizes = [1, 1], strides = [1, 1]} : vector<64x128xf32> to vector<1x1xf32>
    %broadcast_in_dim3A_96 = arith.constant 1.000000e+10 : f32
    %broadcast_in_dim3A_97 = vector.broadcast %broadcast_in_dim3A_96 : f32 to vector<64x128xf32>
    %slice3A_98 = vector.extract_strided_slice %reshape3A_40 {offsets = [0, 0], sizes = [1, 1], strides = [1, 1]} : vector<64x128xf32> to vector<1x1xf32>
    %slice3A_99 = vector.extract_strided_slice %reshape3A_46 {offsets = [0, 0], sizes = [1, 1], strides = [1, 1]} : vector<64x128xf32> to vector<1x1xf32>
    %slice3A_100 = vector.extract_strided_slice %reshape3A_52 {offsets = [0, 0], sizes = [1, 1], strides = [1, 1]} : vector<64x128xf32> to vector<1x1xf32>
    %broadcast_in_dim3A_101 = arith.constant 1.000000e+10 : f32
    %broadcast_in_dim3A_102 = vector.broadcast %broadcast_in_dim3A_101 : f32 to vector<64x128xf32>
    %slice3A_103 = vector.extract_strided_slice %reshape3A_59 {offsets = [0, 0], sizes = [1, 1], strides = [1, 1]} : vector<64x128xf32> to vector<1x1xf32>
    %slice3A_104 = vector.extract_strided_slice %reshape3A_65 {offsets = [0, 0], sizes = [1, 1], strides = [1, 1]} : vector<64x128xf32> to vector<1x1xf32>
    %slice3A_105 = vector.extract_strided_slice %reshape3A_71 {offsets = [0, 0], sizes = [1, 1], strides = [1, 1]} : vector<64x128xf32> to vector<1x1xf32>
    %scan3A = arith.constant 1 : i32
    %scan3A_106 = arith.constant 511 : i32
    %scan3A_107 = arith.addi %scan3A, %scan3A_106 : i32
    %scan3A_108 = arith.constant 1 : i32
    %scan3A_109:16 = scf.for %scan3A_164 = %scan3A to %scan3A_107 step %scan3A_108 iter_args(%scan3A_165 = %broadcast_in_dim3A_88, %scan3A_166 = %slice3A, %scan3A_167 = %slice3A_89, %scan3A_168 = %slice3A_90, %scan3A_169 = %broadcast_in_dim3A_92, %scan3A_170 = %slice3A_93, %scan3A_171 = %slice3A_94, %scan3A_172 = %slice3A_95, %scan3A_173 = %broadcast_in_dim3A_97, %scan3A_174 = %slice3A_98, %scan3A_175 = %slice3A_99, %scan3A_176 = %slice3A_100, %scan3A_177 = %broadcast_in_dim3A_102, %scan3A_178 = %slice3A_103, %scan3A_179 = %slice3A_104, %scan3A_180 = %slice3A_105) -> (vector<64x128xf32>, vector<1x1xf32>, vector<1x1xf32>, vector<1x1xf32>, vector<64x128xf32>, vector<1x1xf32>, vector<1x1xf32>, vector<1x1xf32>, vector<64x128xf32>, vector<1x1xf32>, vector<1x1xf32>, vector<1x1xf32>, vector<64x128xf32>, vector<1x1xf32>, vector<1x1xf32>, vector<1x1xf32>)  : i32 {
      %mul3A_181 = vector.broadcast %scan3A_166 : vector<1x1xf32> to vector<1x128xf32>
      %mul3A_182 = arith.mulf %mul3A_181, %convert_element_type3A_77 : vector<1x128xf32>
      %mul3A_183 = vector.broadcast %scan3A_167 : vector<1x1xf32> to vector<1x128xf32>
      %mul3A_184 = arith.mulf %mul3A_183, %convert_element_type3A_82 : vector<1x128xf32>
      %add3A_185 = arith.addf %mul3A_182, %mul3A_184 : vector<1x128xf32>
      %mul3A_186 = vector.broadcast %scan3A_168 : vector<1x1xf32> to vector<1x128xf32>
      %mul3A_187 = arith.mulf %mul3A_186, %convert_element_type3A_87 : vector<1x128xf32>
      %add3A_188 = arith.addf %add3A_185, %mul3A_187 : vector<1x128xf32>
      %sub3A = arith.constant 1 : i32
      %sub3A_189 = arith.subi %scan3A_164, %sub3A : i32
      %swap3A_190 = arith.constant 0 : index
      %swap3A_191 = arith.index_cast %sub3A_189 : i32 to index
      %swap3A_192 = arith.constant 0 : index
      %swap3A_193 = vector.load %arg1[%swap3A_190, %swap3A_191, %swap3A_192] : memref<4x512x128xf32, #tpu.memory_space<vmem>>, vector<1x1x128xf32>
      %swap3A_194 = vector.shape_cast %swap3A_193 : vector<1x1x128xf32> to vector<1x128xf32>
      %swap3A_195 = vector.shape_cast %add3A_188 : vector<1x128xf32> to vector<1x1x128xf32>
      tpu.vector_store %arg1[%swap3A_190, %swap3A_191, %swap3A_192], %swap3A_195 {strides = array<i32>} : memref<4x512x128xf32, #tpu.memory_space<vmem>>, vector<1x1x128xf32>,
      %sub3A_196 = vector.broadcast %scan3A_166 : vector<1x1xf32> to vector<64x128xf32>
      %sub3A_197 = arith.subf %reshape3A, %sub3A_196 : vector<64x128xf32>
      %sub3A_198 = vector.broadcast %scan3A_167 : vector<1x1xf32> to vector<64x128xf32>
      %sub3A_199 = arith.subf %reshape3A_9, %sub3A_198 : vector<64x128xf32>
      %sub3A_200 = vector.broadcast %scan3A_168 : vector<1x1xf32> to vector<64x128xf32>
      %sub3A_201 = arith.subf %reshape3A_15, %sub3A_200 : vector<64x128xf32>
      %mul3A_202 = arith.mulf %sub3A_197, %sub3A_197 : vector<64x128xf32>
      %mul3A_203 = arith.mulf %sub3A_199, %sub3A_199 : vector<64x128xf32>
      %add3A_204 = arith.addf %mul3A_202, %mul3A_203 : vector<64x128xf32>
      %mul3A_205 = arith.mulf %sub3A_201, %sub3A_201 : vector<64x128xf32>
      %add3A_206 = arith.addf %add3A_204, %mul3A_205 : vector<64x128xf32>
      %min3A = arith.minimumf %scan3A_165, %add3A_206 : vector<64x128xf32>
      %reduce_max3A = arith.constant dense<0xFF800000> : vector<128xf32>
      %reduce_max3A_207 = vector.multi_reduction <maximumf>, %min3A, %reduce_max3A [0] : vector<64x128xf32> to vector<128xf32>
      %broadcast_in_dim3A_208 = vector.shape_cast %reduce_max3A_207 : vector<128xf32> to vector<1x128xf32>
      %eq3A_209 = vector.broadcast %broadcast_in_dim3A_208 : vector<1x128xf32> to vector<64x128xf32>
      %eq3A_210 = arith.cmpf oeq, %min3A, %eq3A_209 : vector<64x128xf32>
      %jit3A = arith.constant 64 : i32
      %broadcast_in_dim3A_211 = vector.broadcast %jit3A : i32 to vector<64x128xi32>
      %select_n3A = arith.select %eq3A_210, %iota3A, %broadcast_in_dim3A_211 : vector<64x128xi1>, vector<64x128xi32>
      %reduce_min3A = arith.constant dense<2147483647> : vector<128xi32>
      %reduce_min3A_212 = vector.multi_reduction <minsi>, %select_n3A, %reduce_min3A [0] : vector<64x128xi32> to vector<128xi32>
      %broadcast_in_dim3A_213 = vector.shape_cast %reduce_min3A_212 : vector<128xi32> to vector<1x128xi32>
      %reduce_max3A_214 = arith.constant dense<0xFF800000> : vector<1xf32>
      %reduce_max3A_215 = vector.multi_reduction <maximumf>, %broadcast_in_dim3A_208, %reduce_max3A_214 [1] : vector<1x128xf32> to vector<1xf32>
      %broadcast_in_dim3A_216 = vector.shape_cast %reduce_max3A_215 : vector<1xf32> to vector<1x1xf32>
      %eq3A_217 = vector.broadcast %broadcast_in_dim3A_216 : vector<1x1xf32> to vector<1x128xf32>
      %eq3A_218 = arith.cmpf oeq, %broadcast_in_dim3A_208, %eq3A_217 : vector<1x128xf32>
      %mul3A_219 = arith.constant 128 : i32
      %mul3A_220 = vector.broadcast %mul3A_219 : i32 to vector<1x128xi32>
      %mul3A_221 = arith.muli %broadcast_in_dim3A_213, %mul3A_220 : vector<1x128xi32>
      %add3A_222 = arith.addi %mul3A_221, %iota3A_73 : vector<1x128xi32>
      %jit3A_223 = arith.constant 8192 : i32
      %broadcast_in_dim3A_224 = vector.broadcast %jit3A_223 : i32 to vector<1x128xi32>
      %select_n3A_225 = arith.select %eq3A_218, %add3A_222, %broadcast_in_dim3A_224 : vector<1x128xi1>, vector<1x128xi32>
      %reduce_min3A_226 = arith.constant dense<2147483647> : vector<1xi32>
      %reduce_min3A_227 = vector.multi_reduction <minsi>, %select_n3A_225, %reduce_min3A_226 [1] : vector<1x128xi32> to vector<1xi32>
      %broadcast_in_dim3A_228 = vector.shape_cast %reduce_min3A_227 : vector<1xi32> to vector<1x1xi32>
      %shift_right_logical3A = arith.constant 7 : i32
      %shift_right_logical3A_229 = vector.broadcast %shift_right_logical3A : i32 to vector<1x1xi32>
      %shift_right_logical3A_230 = arith.shrui %broadcast_in_dim3A_228, %shift_right_logical3A_229 : vector<1x1xi32>
      %and3A = arith.constant 127 : i32
      %and3A_231 = vector.broadcast %and3A : i32 to vector<1x1xi32>
      %and3A_232 = arith.andi %broadcast_in_dim3A_228, %and3A_231 : vector<1x1xi32>
      %eq3A_233 = vector.broadcast %shift_right_logical3A_230 : vector<1x1xi32> to vector<64x1xi32>
      %eq3A_234 = arith.cmpi eq, %iota3A_74, %eq3A_233 : vector<64x1xi32>
      %convert_element_type3A_235 = arith.extui %eq3A_234 : vector<64x1xi1> to vector<64x1xi32>
      %convert_element_type3A_236 = arith.sitofp %convert_element_type3A_235 : vector<64x1xi32> to vector<64x1xf32>
      %eq3A_237 = vector.broadcast %and3A_232 : vector<1x1xi32> to vector<1x128xi32>
      %eq3A_238 = arith.cmpi eq, %iota3A_73, %eq3A_237 : vector<1x128xi32>
      %convert_element_type3A_239 = arith.extui %eq3A_238 : vector<1x128xi1> to vector<1x128xi32>
      %convert_element_type3A_240 = arith.sitofp %convert_element_type3A_239 : vector<1x128xi32> to vector<1x128xf32>
      %mul3A_241 = vector.broadcast %convert_element_type3A_236 : vector<64x1xf32> to vector<64x384xf32>
      %mul3A_242 = arith.mulf %concatenate3A, %mul3A_241 : vector<64x384xf32>
      %reduce_sum3A = arith.constant dense<0.000000e+00> : vector<384xf32>
      %reduce_sum3A_243 = vector.multi_reduction <add>, %mul3A_242, %reduce_sum3A [0] : vector<64x384xf32> to vector<384xf32>
      %broadcast_in_dim3A_244 = vector.shape_cast %reduce_sum3A_243 : vector<384xf32> to vector<1x384xf32>
      %slice3A_245 = vector.extract_strided_slice %broadcast_in_dim3A_244 {offsets = [0, 0], sizes = [1, 128], strides = [1, 1]} : vector<1x384xf32> to vector<1x128xf32>
      %mul3A_246 = arith.mulf %slice3A_245, %convert_element_type3A_240 : vector<1x128xf32>
      %reduce_sum3A_247 = arith.constant dense<0.000000e+00> : vector<1xf32>
      %reduce_sum3A_248 = vector.multi_reduction <add>, %mul3A_246, %reduce_sum3A_247 [1] : vector<1x128xf32> to vector<1xf32>
      %broadcast_in_dim3A_249 = vector.shape_cast %reduce_sum3A_248 : vector<1xf32> to vector<1x1xf32>
      %slice3A_250 = vector.extract_strided_slice %broadcast_in_dim3A_244 {offsets = [0, 128], sizes = [1, 128], strides = [1, 1]} : vector<1x384xf32> to vector<1x128xf32>
      %mul3A_251 = arith.mulf %slice3A_250, %convert_element_type3A_240 : vector<1x128xf32>
      %reduce_sum3A_252 = arith.constant dense<0.000000e+00> : vector<1xf32>
      %reduce_sum3A_253 = vector.multi_reduction <add>, %mul3A_251, %reduce_sum3A_252 [1] : vector<1x128xf32> to vector<1xf32>
      %broadcast_in_dim3A_254 = vector.shape_cast %reduce_sum3A_253 : vector<1xf32> to vector<1x1xf32>
      %slice3A_255 = vector.extract_strided_slice %broadcast_in_dim3A_244 {offsets = [0, 256], sizes = [1, 128], strides = [1, 1]} : vector<1x384xf32> to vector<1x128xf32>
      %mul3A_256 = arith.mulf %slice3A_255, %convert_element_type3A_240 : vector<1x128xf32>
      %reduce_sum3A_257 = arith.constant dense<0.000000e+00> : vector<1xf32>
      %reduce_sum3A_258 = vector.multi_reduction <add>, %mul3A_256, %reduce_sum3A_257 [1] : vector<1x128xf32> to vector<1xf32>
      %broadcast_in_dim3A_259 = vector.shape_cast %reduce_sum3A_258 : vector<1xf32> to vector<1x1xf32>
      %mul3A_260 = vector.broadcast %scan3A_170 : vector<1x1xf32> to vector<1x128xf32>
      %mul3A_261 = arith.mulf %mul3A_260, %convert_element_type3A_77 : vector<1x128xf32>
      %mul3A_262 = vector.broadcast %scan3A_171 : vector<1x1xf32> to vector<1x128xf32>
      %mul3A_263 = arith.mulf %mul3A_262, %convert_element_type3A_82 : vector<1x128xf32>
      %add3A_264 = arith.addf %mul3A_261, %mul3A_263 : vector<1x128xf32>
      %mul3A_265 = vector.broadcast %scan3A_172 : vector<1x1xf32> to vector<1x128xf32>
      %mul3A_266 = arith.mulf %mul3A_265, %convert_element_type3A_87 : vector<1x128xf32>
      %add3A_267 = arith.addf %add3A_264, %mul3A_266 : vector<1x128xf32>
      %sub3A_268 = arith.constant 1 : i32
      %sub3A_269 = arith.subi %scan3A_164, %sub3A_268 : i32
      %swap3A_270 = arith.constant 1 : index
      %swap3A_271 = arith.index_cast %sub3A_269 : i32 to index
      %swap3A_272 = arith.constant 0 : index
      %swap3A_273 = vector.load %arg1[%swap3A_270, %swap3A_271, %swap3A_272] : memref<4x512x128xf32, #tpu.memory_space<vmem>>, vector<1x1x128xf32>
      %swap3A_274 = vector.shape_cast %swap3A_273 : vector<1x1x128xf32> to vector<1x128xf32>
      %swap3A_275 = vector.shape_cast %add3A_267 : vector<1x128xf32> to vector<1x1x128xf32>
      tpu.vector_store %arg1[%swap3A_270, %swap3A_271, %swap3A_272], %swap3A_275 {strides = array<i32>} : memref<4x512x128xf32, #tpu.memory_space<vmem>>, vector<1x1x128xf32>,
      %sub3A_276 = vector.broadcast %scan3A_170 : vector<1x1xf32> to vector<64x128xf32>
      %sub3A_277 = arith.subf %reshape3A_21, %sub3A_276 : vector<64x128xf32>
      %sub3A_278 = vector.broadcast %scan3A_171 : vector<1x1xf32> to vector<64x128xf32>
      %sub3A_279 = arith.subf %reshape3A_27, %sub3A_278 : vector<64x128xf32>
      %sub3A_280 = vector.broadcast %scan3A_172 : vector<1x1xf32> to vector<64x128xf32>
      %sub3A_281 = arith.subf %reshape3A_33, %sub3A_280 : vector<64x128xf32>
      %mul3A_282 = arith.mulf %sub3A_277, %sub3A_277 : vector<64x128xf32>
      %mul3A_283 = arith.mulf %sub3A_279, %sub3A_279 : vector<64x128xf32>
      %add3A_284 = arith.addf %mul3A_282, %mul3A_283 : vector<64x128xf32>
      %mul3A_285 = arith.mulf %sub3A_281, %sub3A_281 : vector<64x128xf32>
      %add3A_286 = arith.addf %add3A_284, %mul3A_285 : vector<64x128xf32>
      %min3A_287 = arith.minimumf %scan3A_169, %add3A_286 : vector<64x128xf32>
      %reduce_max3A_288 = arith.constant dense<0xFF800000> : vector<128xf32>
      %reduce_max3A_289 = vector.multi_reduction <maximumf>, %min3A_287, %reduce_max3A_288 [0] : vector<64x128xf32> to vector<128xf32>
      %broadcast_in_dim3A_290 = vector.shape_cast %reduce_max3A_289 : vector<128xf32> to vector<1x128xf32>
      %eq3A_291 = vector.broadcast %broadcast_in_dim3A_290 : vector<1x128xf32> to vector<64x128xf32>
      %eq3A_292 = arith.cmpf oeq, %min3A_287, %eq3A_291 : vector<64x128xf32>
      %jit3A_293 = arith.constant 64 : i32
      %broadcast_in_dim3A_294 = vector.broadcast %jit3A_293 : i32 to vector<64x128xi32>
      %select_n3A_295 = arith.select %eq3A_292, %iota3A, %broadcast_in_dim3A_294 : vector<64x128xi1>, vector<64x128xi32>
      %reduce_min3A_296 = arith.constant dense<2147483647> : vector<128xi32>
      %reduce_min3A_297 = vector.multi_reduction <minsi>, %select_n3A_295, %reduce_min3A_296 [0] : vector<64x128xi32> to vector<128xi32>
      %broadcast_in_dim3A_298 = vector.shape_cast %reduce_min3A_297 : vector<128xi32> to vector<1x128xi32>
      %reduce_max3A_299 = arith.constant dense<0xFF800000> : vector<1xf32>
      %reduce_max3A_300 = vector.multi_reduction <maximumf>, %broadcast_in_dim3A_290, %reduce_max3A_299 [1] : vector<1x128xf32> to vector<1xf32>
      %broadcast_in_dim3A_301 = vector.shape_cast %reduce_max3A_300 : vector<1xf32> to vector<1x1xf32>
      %eq3A_302 = vector.broadcast %broadcast_in_dim3A_301 : vector<1x1xf32> to vector<1x128xf32>
      %eq3A_303 = arith.cmpf oeq, %broadcast_in_dim3A_290, %eq3A_302 : vector<1x128xf32>
      %mul3A_304 = arith.constant 128 : i32
      %mul3A_305 = vector.broadcast %mul3A_304 : i32 to vector<1x128xi32>
      %mul3A_306 = arith.muli %broadcast_in_dim3A_298, %mul3A_305 : vector<1x128xi32>
      %add3A_307 = arith.addi %mul3A_306, %iota3A_73 : vector<1x128xi32>
      %jit3A_308 = arith.constant 8192 : i32
      %broadcast_in_dim3A_309 = vector.broadcast %jit3A_308 : i32 to vector<1x128xi32>
      %select_n3A_310 = arith.select %eq3A_303, %add3A_307, %broadcast_in_dim3A_309 : vector<1x128xi1>, vector<1x128xi32>
      %reduce_min3A_311 = arith.constant dense<2147483647> : vector<1xi32>
      %reduce_min3A_312 = vector.multi_reduction <minsi>, %select_n3A_310, %reduce_min3A_311 [1] : vector<1x128xi32> to vector<1xi32>
      %broadcast_in_dim3A_313 = vector.shape_cast %reduce_min3A_312 : vector<1xi32> to vector<1x1xi32>
      %shift_right_logical3A_314 = arith.constant 7 : i32
      %shift_right_logical3A_315 = vector.broadcast %shift_right_logical3A_314 : i32 to vector<1x1xi32>
      %shift_right_logical3A_316 = arith.shrui %broadcast_in_dim3A_313, %shift_right_logical3A_315 : vector<1x1xi32>
      %and3A_317 = arith.constant 127 : i32
      %and3A_318 = vector.broadcast %and3A_317 : i32 to vector<1x1xi32>
      %and3A_319 = arith.andi %broadcast_in_dim3A_313, %and3A_318 : vector<1x1xi32>
      %eq3A_320 = vector.broadcast %shift_right_logical3A_316 : vector<1x1xi32> to vector<64x1xi32>
      %eq3A_321 = arith.cmpi eq, %iota3A_74, %eq3A_320 : vector<64x1xi32>
      %convert_element_type3A_322 = arith.extui %eq3A_321 : vector<64x1xi1> to vector<64x1xi32>
      %convert_element_type3A_323 = arith.sitofp %convert_element_type3A_322 : vector<64x1xi32> to vector<64x1xf32>
      %eq3A_324 = vector.broadcast %and3A_319 : vector<1x1xi32> to vector<1x128xi32>
      %eq3A_325 = arith.cmpi eq, %iota3A_73, %eq3A_324 : vector<1x128xi32>
      %convert_element_type3A_326 = arith.extui %eq3A_325 : vector<1x128xi1> to vector<1x128xi32>
      %convert_element_type3A_327 = arith.sitofp %convert_element_type3A_326 : vector<1x128xi32> to vector<1x128xf32>
      %mul3A_328 = vector.broadcast %convert_element_type3A_323 : vector<64x1xf32> to vector<64x384xf32>
      %mul3A_329 = arith.mulf %concatenate3A_34, %mul3A_328 : vector<64x384xf32>
      %reduce_sum3A_330 = arith.constant dense<0.000000e+00> : vector<384xf32>
      %reduce_sum3A_331 = vector.multi_reduction <add>, %mul3A_329, %reduce_sum3A_330 [0] : vector<64x384xf32> to vector<384xf32>
      %broadcast_in_dim3A_332 = vector.shape_cast %reduce_sum3A_331 : vector<384xf32> to vector<1x384xf32>
      %slice3A_333 = vector.extract_strided_slice %broadcast_in_dim3A_332 {offsets = [0, 0], sizes = [1, 128], strides = [1, 1]} : vector<1x384xf32> to vector<1x128xf32>
      %mul3A_334 = arith.mulf %slice3A_333, %convert_element_type3A_327 : vector<1x128xf32>
      %reduce_sum3A_335 = arith.constant dense<0.000000e+00> : vector<1xf32>
      %reduce_sum3A_336 = vector.multi_reduction <add>, %mul3A_334, %reduce_sum3A_335 [1] : vector<1x128xf32> to vector<1xf32>
      %broadcast_in_dim3A_337 = vector.shape_cast %reduce_sum3A_336 : vector<1xf32> to vector<1x1xf32>
      %slice3A_338 = vector.extract_strided_slice %broadcast_in_dim3A_332 {offsets = [0, 128], sizes = [1, 128], strides = [1, 1]} : vector<1x384xf32> to vector<1x128xf32>
      %mul3A_339 = arith.mulf %slice3A_338, %convert_element_type3A_327 : vector<1x128xf32>
      %reduce_sum3A_340 = arith.constant dense<0.000000e+00> : vector<1xf32>
      %reduce_sum3A_341 = vector.multi_reduction <add>, %mul3A_339, %reduce_sum3A_340 [1] : vector<1x128xf32> to vector<1xf32>
      %broadcast_in_dim3A_342 = vector.shape_cast %reduce_sum3A_341 : vector<1xf32> to vector<1x1xf32>
      %slice3A_343 = vector.extract_strided_slice %broadcast_in_dim3A_332 {offsets = [0, 256], sizes = [1, 128], strides = [1, 1]} : vector<1x384xf32> to vector<1x128xf32>
      %mul3A_344 = arith.mulf %slice3A_343, %convert_element_type3A_327 : vector<1x128xf32>
      %reduce_sum3A_345 = arith.constant dense<0.000000e+00> : vector<1xf32>
      %reduce_sum3A_346 = vector.multi_reduction <add>, %mul3A_344, %reduce_sum3A_345 [1] : vector<1x128xf32> to vector<1xf32>
      %broadcast_in_dim3A_347 = vector.shape_cast %reduce_sum3A_346 : vector<1xf32> to vector<1x1xf32>
      %mul3A_348 = vector.broadcast %scan3A_174 : vector<1x1xf32> to vector<1x128xf32>
      %mul3A_349 = arith.mulf %mul3A_348, %convert_element_type3A_77 : vector<1x128xf32>
      %mul3A_350 = vector.broadcast %scan3A_175 : vector<1x1xf32> to vector<1x128xf32>
      %mul3A_351 = arith.mulf %mul3A_350, %convert_element_type3A_82 : vector<1x128xf32>
      %add3A_352 = arith.addf %mul3A_349, %mul3A_351 : vector<1x128xf32>
      %mul3A_353 = vector.broadcast %scan3A_176 : vector<1x1xf32> to vector<1x128xf32>
      %mul3A_354 = arith.mulf %mul3A_353, %convert_element_type3A_87 : vector<1x128xf32>
      %add3A_355 = arith.addf %add3A_352, %mul3A_354 : vector<1x128xf32>
      %sub3A_356 = arith.constant 1 : i32
      %sub3A_357 = arith.subi %scan3A_164, %sub3A_356 : i32
      %swap3A_358 = arith.constant 2 : index
      %swap3A_359 = arith.index_cast %sub3A_357 : i32 to index
      %swap3A_360 = arith.constant 0 : index
      %swap3A_361 = vector.load %arg1[%swap3A_358, %swap3A_359, %swap3A_360] : memref<4x512x128xf32, #tpu.memory_space<vmem>>, vector<1x1x128xf32>
      %swap3A_362 = vector.shape_cast %swap3A_361 : vector<1x1x128xf32> to vector<1x128xf32>
      %swap3A_363 = vector.shape_cast %add3A_355 : vector<1x128xf32> to vector<1x1x128xf32>
      tpu.vector_store %arg1[%swap3A_358, %swap3A_359, %swap3A_360], %swap3A_363 {strides = array<i32>} : memref<4x512x128xf32, #tpu.memory_space<vmem>>, vector<1x1x128xf32>,
      %sub3A_364 = vector.broadcast %scan3A_174 : vector<1x1xf32> to vector<64x128xf32>
      %sub3A_365 = arith.subf %reshape3A_40, %sub3A_364 : vector<64x128xf32>
      %sub3A_366 = vector.broadcast %scan3A_175 : vector<1x1xf32> to vector<64x128xf32>
      %sub3A_367 = arith.subf %reshape3A_46, %sub3A_366 : vector<64x128xf32>
      %sub3A_368 = vector.broadcast %scan3A_176 : vector<1x1xf32> to vector<64x128xf32>
      %sub3A_369 = arith.subf %reshape3A_52, %sub3A_368 : vector<64x128xf32>
      %mul3A_370 = arith.mulf %sub3A_365, %sub3A_365 : vector<64x128xf32>
      %mul3A_371 = arith.mulf %sub3A_367, %sub3A_367 : vector<64x128xf32>
      %add3A_372 = arith.addf %mul3A_370, %mul3A_371 : vector<64x128xf32>
      %mul3A_373 = arith.mulf %sub3A_369, %sub3A_369 : vector<64x128xf32>
      %add3A_374 = arith.addf %add3A_372, %mul3A_373 : vector<64x128xf32>
      %min3A_375 = arith.minimumf %scan3A_173, %add3A_374 : vector<64x128xf32>
      %reduce_max3A_376 = arith.constant dense<0xFF800000> : vector<128xf32>
      %reduce_max3A_377 = vector.multi_reduction <maximumf>, %min3A_375, %reduce_max3A_376 [0] : vector<64x128xf32> to vector<128xf32>
      %broadcast_in_dim3A_378 = vector.shape_cast %reduce_max3A_377 : vector<128xf32> to vector<1x128xf32>
      %eq3A_379 = vector.broadcast %broadcast_in_dim3A_378 : vector<1x128xf32> to vector<64x128xf32>
      %eq3A_380 = arith.cmpf oeq, %min3A_375, %eq3A_379 : vector<64x128xf32>
      %jit3A_381 = arith.constant 64 : i32
      %broadcast_in_dim3A_382 = vector.broadcast %jit3A_381 : i32 to vector<64x128xi32>
      %select_n3A_383 = arith.select %eq3A_380, %iota3A, %broadcast_in_dim3A_382 : vector<64x128xi1>, vector<64x128xi32>
      %reduce_min3A_384 = arith.constant dense<2147483647> : vector<128xi32>
      %reduce_min3A_385 = vector.multi_reduction <minsi>, %select_n3A_383, %reduce_min3A_384 [0] : vector<64x128xi32> to vector<128xi32>
      %broadcast_in_dim3A_386 = vector.shape_cast %reduce_min3A_385 : vector<128xi32> to vector<1x128xi32>
      %reduce_max3A_387 = arith.constant dense<0xFF800000> : vector<1xf32>
      %reduce_max3A_388 = vector.multi_reduction <maximumf>, %broadcast_in_dim3A_378, %reduce_max3A_387 [1] : vector<1x128xf32> to vector<1xf32>
      %broadcast_in_dim3A_389 = vector.shape_cast %reduce_max3A_388 : vector<1xf32> to vector<1x1xf32>
      %eq3A_390 = vector.broadcast %broadcast_in_dim3A_389 : vector<1x1xf32> to vector<1x128xf32>
      %eq3A_391 = arith.cmpf oeq, %broadcast_in_dim3A_378, %eq3A_390 : vector<1x128xf32>
      %mul3A_392 = arith.constant 128 : i32
      %mul3A_393 = vector.broadcast %mul3A_392 : i32 to vector<1x128xi32>
      %mul3A_394 = arith.muli %broadcast_in_dim3A_386, %mul3A_393 : vector<1x128xi32>
      %add3A_395 = arith.addi %mul3A_394, %iota3A_73 : vector<1x128xi32>
      %jit3A_396 = arith.constant 8192 : i32
      %broadcast_in_dim3A_397 = vector.broadcast %jit3A_396 : i32 to vector<1x128xi32>
      %select_n3A_398 = arith.select %eq3A_391, %add3A_395, %broadcast_in_dim3A_397 : vector<1x128xi1>, vector<1x128xi32>
      %reduce_min3A_399 = arith.constant dense<2147483647> : vector<1xi32>
      %reduce_min3A_400 = vector.multi_reduction <minsi>, %select_n3A_398, %reduce_min3A_399 [1] : vector<1x128xi32> to vector<1xi32>
      %broadcast_in_dim3A_401 = vector.shape_cast %reduce_min3A_400 : vector<1xi32> to vector<1x1xi32>
      %shift_right_logical3A_402 = arith.constant 7 : i32
      %shift_right_logical3A_403 = vector.broadcast %shift_right_logical3A_402 : i32 to vector<1x1xi32>
      %shift_right_logical3A_404 = arith.shrui %broadcast_in_dim3A_401, %shift_right_logical3A_403 : vector<1x1xi32>
      %and3A_405 = arith.constant 127 : i32
      %and3A_406 = vector.broadcast %and3A_405 : i32 to vector<1x1xi32>
      %and3A_407 = arith.andi %broadcast_in_dim3A_401, %and3A_406 : vector<1x1xi32>
      %eq3A_408 = vector.broadcast %shift_right_logical3A_404 : vector<1x1xi32> to vector<64x1xi32>
      %eq3A_409 = arith.cmpi eq, %iota3A_74, %eq3A_408 : vector<64x1xi32>
      %convert_element_type3A_410 = arith.extui %eq3A_409 : vector<64x1xi1> to vector<64x1xi32>
      %convert_element_type3A_411 = arith.sitofp %convert_element_type3A_410 : vector<64x1xi32> to vector<64x1xf32>
      %eq3A_412 = vector.broadcast %and3A_407 : vector<1x1xi32> to vector<1x128xi32>
      %eq3A_413 = arith.cmpi eq, %iota3A_73, %eq3A_412 : vector<1x128xi32>
      %convert_element_type3A_414 = arith.extui %eq3A_413 : vector<1x128xi1> to vector<1x128xi32>
      %convert_element_type3A_415 = arith.sitofp %convert_element_type3A_414 : vector<1x128xi32> to vector<1x128xf32>
      %mul3A_416 = vector.broadcast %convert_element_type3A_411 : vector<64x1xf32> to vector<64x384xf32>
      %mul3A_417 = arith.mulf %concatenate3A_53, %mul3A_416 : vector<64x384xf32>
      %reduce_sum3A_418 = arith.constant dense<0.000000e+00> : vector<384xf32>
      %reduce_sum3A_419 = vector.multi_reduction <add>, %mul3A_417, %reduce_sum3A_418 [0] : vector<64x384xf32> to vector<384xf32>
      %broadcast_in_dim3A_420 = vector.shape_cast %reduce_sum3A_419 : vector<384xf32> to vector<1x384xf32>
      %slice3A_421 = vector.extract_strided_slice %broadcast_in_dim3A_420 {offsets = [0, 0], sizes = [1, 128], strides = [1, 1]} : vector<1x384xf32> to vector<1x128xf32>
      %mul3A_422 = arith.mulf %slice3A_421, %convert_element_type3A_415 : vector<1x128xf32>
      %reduce_sum3A_423 = arith.constant dense<0.000000e+00> : vector<1xf32>
      %reduce_sum3A_424 = vector.multi_reduction <add>, %mul3A_422, %reduce_sum3A_423 [1] : vector<1x128xf32> to vector<1xf32>
      %broadcast_in_dim3A_425 = vector.shape_cast %reduce_sum3A_424 : vector<1xf32> to vector<1x1xf32>
      %slice3A_426 = vector.extract_strided_slice %broadcast_in_dim3A_420 {offsets = [0, 128], sizes = [1, 128], strides = [1, 1]} : vector<1x384xf32> to vector<1x128xf32>
      %mul3A_427 = arith.mulf %slice3A_426, %convert_element_type3A_415 : vector<1x128xf32>
      %reduce_sum3A_428 = arith.constant dense<0.000000e+00> : vector<1xf32>
      %reduce_sum3A_429 = vector.multi_reduction <add>, %mul3A_427, %reduce_sum3A_428 [1] : vector<1x128xf32> to vector<1xf32>
      %broadcast_in_dim3A_430 = vector.shape_cast %reduce_sum3A_429 : vector<1xf32> to vector<1x1xf32>
      %slice3A_431 = vector.extract_strided_slice %broadcast_in_dim3A_420 {offsets = [0, 256], sizes = [1, 128], strides = [1, 1]} : vector<1x384xf32> to vector<1x128xf32>
      %mul3A_432 = arith.mulf %slice3A_431, %convert_element_type3A_415 : vector<1x128xf32>
      %reduce_sum3A_433 = arith.constant dense<0.000000e+00> : vector<1xf32>
      %reduce_sum3A_434 = vector.multi_reduction <add>, %mul3A_432, %reduce_sum3A_433 [1] : vector<1x128xf32> to vector<1xf32>
      %broadcast_in_dim3A_435 = vector.shape_cast %reduce_sum3A_434 : vector<1xf32> to vector<1x1xf32>
      %mul3A_436 = vector.broadcast %scan3A_178 : vector<1x1xf32> to vector<1x128xf32>
      %mul3A_437 = arith.mulf %mul3A_436, %convert_element_type3A_77 : vector<1x128xf32>
      %mul3A_438 = vector.broadcast %scan3A_179 : vector<1x1xf32> to vector<1x128xf32>
      %mul3A_439 = arith.mulf %mul3A_438, %convert_element_type3A_82 : vector<1x128xf32>
      %add3A_440 = arith.addf %mul3A_437, %mul3A_439 : vector<1x128xf32>
      %mul3A_441 = vector.broadcast %scan3A_180 : vector<1x1xf32> to vector<1x128xf32>
      %mul3A_442 = arith.mulf %mul3A_441, %convert_element_type3A_87 : vector<1x128xf32>
      %add3A_443 = arith.addf %add3A_440, %mul3A_442 : vector<1x128xf32>
      %sub3A_444 = arith.constant 1 : i32
      %sub3A_445 = arith.subi %scan3A_164, %sub3A_444 : i32
      %swap3A_446 = arith.constant 3 : index
      %swap3A_447 = arith.index_cast %sub3A_445 : i32 to index
      %swap3A_448 = arith.constant 0 : index
      %swap3A_449 = vector.load %arg1[%swap3A_446, %swap3A_447, %swap3A_448] : memref<4x512x128xf32, #tpu.memory_space<vmem>>, vector<1x1x128xf32>
      %swap3A_450 = vector.shape_cast %swap3A_449 : vector<1x1x128xf32> to vector<1x128xf32>
      %swap3A_451 = vector.shape_cast %add3A_443 : vector<1x128xf32> to vector<1x1x128xf32>
      tpu.vector_store %arg1[%swap3A_446, %swap3A_447, %swap3A_448], %swap3A_451 {strides = array<i32>} : memref<4x512x128xf32, #tpu.memory_space<vmem>>, vector<1x1x128xf32>,
      %sub3A_452 = vector.broadcast %scan3A_178 : vector<1x1xf32> to vector<64x128xf32>
      %sub3A_453 = arith.subf %reshape3A_59, %sub3A_452 : vector<64x128xf32>
      %sub3A_454 = vector.broadcast %scan3A_179 : vector<1x1xf32> to vector<64x128xf32>
      %sub3A_455 = arith.subf %reshape3A_65, %sub3A_454 : vector<64x128xf32>
      %sub3A_456 = vector.broadcast %scan3A_180 : vector<1x1xf32> to vector<64x128xf32>
      %sub3A_457 = arith.subf %reshape3A_71, %sub3A_456 : vector<64x128xf32>
      %mul3A_458 = arith.mulf %sub3A_453, %sub3A_453 : vector<64x128xf32>
      %mul3A_459 = arith.mulf %sub3A_455, %sub3A_455 : vector<64x128xf32>
      %add3A_460 = arith.addf %mul3A_458, %mul3A_459 : vector<64x128xf32>
      %mul3A_461 = arith.mulf %sub3A_457, %sub3A_457 : vector<64x128xf32>
      %add3A_462 = arith.addf %add3A_460, %mul3A_461 : vector<64x128xf32>
      %min3A_463 = arith.minimumf %scan3A_177, %add3A_462 : vector<64x128xf32>
      %reduce_max3A_464 = arith.constant dense<0xFF800000> : vector<128xf32>
      %reduce_max3A_465 = vector.multi_reduction <maximumf>, %min3A_463, %reduce_max3A_464 [0] : vector<64x128xf32> to vector<128xf32>
      %broadcast_in_dim3A_466 = vector.shape_cast %reduce_max3A_465 : vector<128xf32> to vector<1x128xf32>
      %eq3A_467 = vector.broadcast %broadcast_in_dim3A_466 : vector<1x128xf32> to vector<64x128xf32>
      %eq3A_468 = arith.cmpf oeq, %min3A_463, %eq3A_467 : vector<64x128xf32>
      %jit3A_469 = arith.constant 64 : i32
      %broadcast_in_dim3A_470 = vector.broadcast %jit3A_469 : i32 to vector<64x128xi32>
      %select_n3A_471 = arith.select %eq3A_468, %iota3A, %broadcast_in_dim3A_470 : vector<64x128xi1>, vector<64x128xi32>
      %reduce_min3A_472 = arith.constant dense<2147483647> : vector<128xi32>
      %reduce_min3A_473 = vector.multi_reduction <minsi>, %select_n3A_471, %reduce_min3A_472 [0] : vector<64x128xi32> to vector<128xi32>
      %broadcast_in_dim3A_474 = vector.shape_cast %reduce_min3A_473 : vector<128xi32> to vector<1x128xi32>
      %reduce_max3A_475 = arith.constant dense<0xFF800000> : vector<1xf32>
      %reduce_max3A_476 = vector.multi_reduction <maximumf>, %broadcast_in_dim3A_466, %reduce_max3A_475 [1] : vector<1x128xf32> to vector<1xf32>
      %broadcast_in_dim3A_477 = vector.shape_cast %reduce_max3A_476 : vector<1xf32> to vector<1x1xf32>
      %eq3A_478 = vector.broadcast %broadcast_in_dim3A_477 : vector<1x1xf32> to vector<1x128xf32>
      %eq3A_479 = arith.cmpf oeq, %broadcast_in_dim3A_466, %eq3A_478 : vector<1x128xf32>
      %mul3A_480 = arith.constant 128 : i32
      %mul3A_481 = vector.broadcast %mul3A_480 : i32 to vector<1x128xi32>
      %mul3A_482 = arith.muli %broadcast_in_dim3A_474, %mul3A_481 : vector<1x128xi32>
      %add3A_483 = arith.addi %mul3A_482, %iota3A_73 : vector<1x128xi32>
      %jit3A_484 = arith.constant 8192 : i32
      %broadcast_in_dim3A_485 = vector.broadcast %jit3A_484 : i32 to vector<1x128xi32>
      %select_n3A_486 = arith.select %eq3A_479, %add3A_483, %broadcast_in_dim3A_485 : vector<1x128xi1>, vector<1x128xi32>
      %reduce_min3A_487 = arith.constant dense<2147483647> : vector<1xi32>
      %reduce_min3A_488 = vector.multi_reduction <minsi>, %select_n3A_486, %reduce_min3A_487 [1] : vector<1x128xi32> to vector<1xi32>
      %broadcast_in_dim3A_489 = vector.shape_cast %reduce_min3A_488 : vector<1xi32> to vector<1x1xi32>
      %shift_right_logical3A_490 = arith.constant 7 : i32
      %shift_right_logical3A_491 = vector.broadcast %shift_right_logical3A_490 : i32 to vector<1x1xi32>
      %shift_right_logical3A_492 = arith.shrui %broadcast_in_dim3A_489, %shift_right_logical3A_491 : vector<1x1xi32>
      %and3A_493 = arith.constant 127 : i32
      %and3A_494 = vector.broadcast %and3A_493 : i32 to vector<1x1xi32>
      %and3A_495 = arith.andi %broadcast_in_dim3A_489, %and3A_494 : vector<1x1xi32>
      %eq3A_496 = vector.broadcast %shift_right_logical3A_492 : vector<1x1xi32> to vector<64x1xi32>
      %eq3A_497 = arith.cmpi eq, %iota3A_74, %eq3A_496 : vector<64x1xi32>
      %convert_element_type3A_498 = arith.extui %eq3A_497 : vector<64x1xi1> to vector<64x1xi32>
      %convert_element_type3A_499 = arith.sitofp %convert_element_type3A_498 : vector<64x1xi32> to vector<64x1xf32>
      %eq3A_500 = vector.broadcast %and3A_495 : vector<1x1xi32> to vector<1x128xi32>
      %eq3A_501 = arith.cmpi eq, %iota3A_73, %eq3A_500 : vector<1x128xi32>
      %convert_element_type3A_502 = arith.extui %eq3A_501 : vector<1x128xi1> to vector<1x128xi32>
      %convert_element_type3A_503 = arith.sitofp %convert_element_type3A_502 : vector<1x128xi32> to vector<1x128xf32>
      %mul3A_504 = vector.broadcast %convert_element_type3A_499 : vector<64x1xf32> to vector<64x384xf32>
      %mul3A_505 = arith.mulf %concatenate3A_72, %mul3A_504 : vector<64x384xf32>
      %reduce_sum3A_506 = arith.constant dense<0.000000e+00> : vector<384xf32>
      %reduce_sum3A_507 = vector.multi_reduction <add>, %mul3A_505, %reduce_sum3A_506 [0] : vector<64x384xf32> to vector<384xf32>
      %broadcast_in_dim3A_508 = vector.shape_cast %reduce_sum3A_507 : vector<384xf32> to vector<1x384xf32>
      %slice3A_509 = vector.extract_strided_slice %broadcast_in_dim3A_508 {offsets = [0, 0], sizes = [1, 128], strides = [1, 1]} : vector<1x384xf32> to vector<1x128xf32>
      %mul3A_510 = arith.mulf %slice3A_509, %convert_element_type3A_503 : vector<1x128xf32>
      %reduce_sum3A_511 = arith.constant dense<0.000000e+00> : vector<1xf32>
      %reduce_sum3A_512 = vector.multi_reduction <add>, %mul3A_510, %reduce_sum3A_511 [1] : vector<1x128xf32> to vector<1xf32>
      %broadcast_in_dim3A_513 = vector.shape_cast %reduce_sum3A_512 : vector<1xf32> to vector<1x1xf32>
      %slice3A_514 = vector.extract_strided_slice %broadcast_in_dim3A_508 {offsets = [0, 128], sizes = [1, 128], strides = [1, 1]} : vector<1x384xf32> to vector<1x128xf32>
      %mul3A_515 = arith.mulf %slice3A_514, %convert_element_type3A_503 : vector<1x128xf32>
      %reduce_sum3A_516 = arith.constant dense<0.000000e+00> : vector<1xf32>
      %reduce_sum3A_517 = vector.multi_reduction <add>, %mul3A_515, %reduce_sum3A_516 [1] : vector<1x128xf32> to vector<1xf32>
      %broadcast_in_dim3A_518 = vector.shape_cast %reduce_sum3A_517 : vector<1xf32> to vector<1x1xf32>
      %slice3A_519 = vector.extract_strided_slice %broadcast_in_dim3A_508 {offsets = [0, 256], sizes = [1, 128], strides = [1, 1]} : vector<1x384xf32> to vector<1x128xf32>
      %mul3A_520 = arith.mulf %slice3A_519, %convert_element_type3A_503 : vector<1x128xf32>
      %reduce_sum3A_521 = arith.constant dense<0.000000e+00> : vector<1xf32>
      %reduce_sum3A_522 = vector.multi_reduction <add>, %mul3A_520, %reduce_sum3A_521 [1] : vector<1x128xf32> to vector<1xf32>
      %broadcast_in_dim3A_523 = vector.shape_cast %reduce_sum3A_522 : vector<1xf32> to vector<1x1xf32>
      scf.yield %min3A, %broadcast_in_dim3A_249, %broadcast_in_dim3A_254, %broadcast_in_dim3A_259, %min3A_287, %broadcast_in_dim3A_337, %broadcast_in_dim3A_342, %broadcast_in_dim3A_347, %min3A_375, %broadcast_in_dim3A_425, %broadcast_in_dim3A_430, %broadcast_in_dim3A_435, %min3A_463, %broadcast_in_dim3A_513, %broadcast_in_dim3A_518, %broadcast_in_dim3A_523 : vector<64x128xf32>, vector<1x1xf32>, vector<1x1xf32>, vector<1x1xf32>, vector<64x128xf32>, vector<1x1xf32>, vector<1x1xf32>, vector<1x1xf32>, vector<64x128xf32>, vector<1x1xf32>, vector<1x1xf32>, vector<1x1xf32>, vector<64x128xf32>, vector<1x1xf32>, vector<1x1xf32>, vector<1x1xf32>
    }
    %scan3A_110 = arith.constant 511 : i32
    %mul3A = vector.broadcast %scan3A_109#1 : vector<1x1xf32> to vector<1x128xf32>
    %mul3A_111 = arith.mulf %mul3A, %convert_element_type3A_77 : vector<1x128xf32>
    %mul3A_112 = vector.broadcast %scan3A_109#2 : vector<1x1xf32> to vector<1x128xf32>
    %mul3A_113 = arith.mulf %mul3A_112, %convert_element_type3A_82 : vector<1x128xf32>
    %add3A = arith.addf %mul3A_111, %mul3A_113 : vector<1x128xf32>
    %mul3A_114 = vector.broadcast %scan3A_109#3 : vector<1x1xf32> to vector<1x128xf32>
    %mul3A_115 = arith.mulf %mul3A_114, %convert_element_type3A_87 : vector<1x128xf32>
    %add3A_116 = arith.addf %add3A, %mul3A_115 : vector<1x128xf32>
    %swap3A = arith.constant 0 : index
    %swap3A_117 = arith.constant 511 : index
    %swap3A_118 = arith.constant 0 : index
    %swap3A_119 = vector.load %arg1[%swap3A, %swap3A_117, %swap3A_118] : memref<4x512x128xf32, #tpu.memory_space<vmem>>, vector<1x1x128xf32>
    %swap3A_120 = vector.shape_cast %swap3A_119 : vector<1x1x128xf32> to vector<1x128xf32>
    %swap3A_121 = vector.shape_cast %add3A_116 : vector<1x128xf32> to vector<1x1x128xf32>
    tpu.vector_store %arg1[%swap3A, %swap3A_117, %swap3A_118], %swap3A_121 {strides = array<i32>} : memref<4x512x128xf32, #tpu.memory_space<vmem>>, vector<1x1x128xf32>,
    %mul3A_122 = vector.broadcast %scan3A_109#5 : vector<1x1xf32> to vector<1x128xf32>
    %mul3A_123 = arith.mulf %mul3A_122, %convert_element_type3A_77 : vector<1x128xf32>
    %mul3A_124 = vector.broadcast %scan3A_109#6 : vector<1x1xf32> to vector<1x128xf32>
    %mul3A_125 = arith.mulf %mul3A_124, %convert_element_type3A_82 : vector<1x128xf32>
    %add3A_126 = arith.addf %mul3A_123, %mul3A_125 : vector<1x128xf32>
    %mul3A_127 = vector.broadcast %scan3A_109#7 : vector<1x1xf32> to vector<1x128xf32>
    %mul3A_128 = arith.mulf %mul3A_127, %convert_element_type3A_87 : vector<1x128xf32>
    %add3A_129 = arith.addf %add3A_126, %mul3A_128 : vector<1x128xf32>
    %swap3A_130 = arith.constant 1 : index
    %swap3A_131 = arith.constant 511 : index
    %swap3A_132 = arith.constant 0 : index
    %swap3A_133 = vector.load %arg1[%swap3A_130, %swap3A_131, %swap3A_132] : memref<4x512x128xf32, #tpu.memory_space<vmem>>, vector<1x1x128xf32>
    %swap3A_134 = vector.shape_cast %swap3A_133 : vector<1x1x128xf32> to vector<1x128xf32>
    %swap3A_135 = vector.shape_cast %add3A_129 : vector<1x128xf32> to vector<1x1x128xf32>
    tpu.vector_store %arg1[%swap3A_130, %swap3A_131, %swap3A_132], %swap3A_135 {strides = array<i32>} : memref<4x512x128xf32, #tpu.memory_space<vmem>>, vector<1x1x128xf32>,
    %mul3A_136 = vector.broadcast %scan3A_109#9 : vector<1x1xf32> to vector<1x128xf32>
    %mul3A_137 = arith.mulf %mul3A_136, %convert_element_type3A_77 : vector<1x128xf32>
    %mul3A_138 = vector.broadcast %scan3A_109#10 : vector<1x1xf32> to vector<1x128xf32>
    %mul3A_139 = arith.mulf %mul3A_138, %convert_element_type3A_82 : vector<1x128xf32>
    %add3A_140 = arith.addf %mul3A_137, %mul3A_139 : vector<1x128xf32>
    %mul3A_141 = vector.broadcast %scan3A_109#11 : vector<1x1xf32> to vector<1x128xf32>
    %mul3A_142 = arith.mulf %mul3A_141, %convert_element_type3A_87 : vector<1x128xf32>
    %add3A_143 = arith.addf %add3A_140, %mul3A_142 : vector<1x128xf32>
    %swap3A_144 = arith.constant 2 : index
    %swap3A_145 = arith.constant 511 : index
    %swap3A_146 = arith.constant 0 : index
    %swap3A_147 = vector.load %arg1[%swap3A_144, %swap3A_145, %swap3A_146] : memref<4x512x128xf32, #tpu.memory_space<vmem>>, vector<1x1x128xf32>
    %swap3A_148 = vector.shape_cast %swap3A_147 : vector<1x1x128xf32> to vector<1x128xf32>
    %swap3A_149 = vector.shape_cast %add3A_143 : vector<1x128xf32> to vector<1x1x128xf32>
    tpu.vector_store %arg1[%swap3A_144, %swap3A_145, %swap3A_146], %swap3A_149 {strides = array<i32>} : memref<4x512x128xf32, #tpu.memory_space<vmem>>, vector<1x1x128xf32>,
    %mul3A_150 = vector.broadcast %scan3A_109#13 : vector<1x1xf32> to vector<1x128xf32>
    %mul3A_151 = arith.mulf %mul3A_150, %convert_element_type3A_77 : vector<1x128xf32>
    %mul3A_152 = vector.broadcast %scan3A_109#14 : vector<1x1xf32> to vector<1x128xf32>
    %mul3A_153 = arith.mulf %mul3A_152, %convert_element_type3A_82 : vector<1x128xf32>
    %add3A_154 = arith.addf %mul3A_151, %mul3A_153 : vector<1x128xf32>
    %mul3A_155 = vector.broadcast %scan3A_109#15 : vector<1x1xf32> to vector<1x128xf32>
    %mul3A_156 = arith.mulf %mul3A_155, %convert_element_type3A_87 : vector<1x128xf32>
    %add3A_157 = arith.addf %add3A_154, %mul3A_156 : vector<1x128xf32>
    %swap3A_158 = arith.constant 3 : index
    %swap3A_159 = arith.constant 511 : index
    %swap3A_160 = arith.constant 0 : index
    %swap3A_161 = vector.load %arg1[%swap3A_158, %swap3A_159, %swap3A_160] : memref<4x512x128xf32, #tpu.memory_space<vmem>>, vector<1x1x128xf32>
    %swap3A_162 = vector.shape_cast %swap3A_161 : vector<1x1x128xf32> to vector<1x128xf32>
    %swap3A_163 = vector.shape_cast %add3A_157 : vector<1x128xf32> to vector<1x1x128xf32>
    tpu.vector_store %arg1[%swap3A_158, %swap3A_159, %swap3A_160], %swap3A_163 {strides = array<i32>} : memref<4x512x128xf32, #tpu.memory_space<vmem>>, vector<1x1x128xf32>,
    return
  }
}

module attributes {stable_mosaic.version = 14 : i64} {
  func.func @_bq_body(%arg0: i32, %arg1: i32, %arg2: memref<1x8192x3xf32, #tpu.memory_space<vmem>>, %arg3: memref<1x3x512xf32, #tpu.memory_space<vmem>>, %arg4: memref<1x32x512xi32, #tpu.memory_space<vmem>>) attributes {dimension_semantics = [#tpu.dimension_semantics<arbitrary>, #tpu.dimension_semantics<arbitrary>], iteration_bounds = array<i64: 4, 1>, scalar_prefetch = 0 : i64, scratch_operands = 0 : i64, tpu.core_type = #tpu.core_type<tc>, window_params = [{transform_indices = @transform_0, window_bounds = array<i64: 1, 8192, 3>}, {transform_indices = @transform_1, window_bounds = array<i64: 1, 3, 512>}, {transform_indices = @transform_2, window_bounds = array<i64: 1, 32, 512>}]} {
    %get3A = arith.constant 0 : index
    %get3A_0 = arith.constant 0 : index
    %get3A_1 = arith.constant 0 : index
    %get3A_2 = vector.load %arg2[%get3A, %get3A_0, %get3A_1] : memref<1x8192x3xf32, #tpu.memory_space<vmem>>, vector<1x8192x1xf32>
    %get3A_3 = vector.shape_cast %get3A_2 : vector<1x8192x1xf32> to vector<8192x1xf32>
    %get3A_4 = arith.constant 0 : index
    %get3A_5 = arith.constant 0 : index
    %get3A_6 = arith.constant 1 : index
    %get3A_7 = vector.load %arg2[%get3A_4, %get3A_5, %get3A_6] : memref<1x8192x3xf32, #tpu.memory_space<vmem>>, vector<1x8192x1xf32>
    %get3A_8 = vector.shape_cast %get3A_7 : vector<1x8192x1xf32> to vector<8192x1xf32>
    %get3A_9 = arith.constant 0 : index
    %get3A_10 = arith.constant 0 : index
    %get3A_11 = arith.constant 2 : index
    %get3A_12 = vector.load %arg2[%get3A_9, %get3A_10, %get3A_11] : memref<1x8192x3xf32, #tpu.memory_space<vmem>>, vector<1x8192x1xf32>
    %get3A_13 = vector.shape_cast %get3A_12 : vector<1x8192x1xf32> to vector<8192x1xf32>
    %get3A_14 = arith.constant 0 : index
    %get3A_15 = arith.constant 0 : index
    %get3A_16 = arith.constant 0 : index
    %get3A_17 = vector.load %arg3[%get3A_14, %get3A_15, %get3A_16] : memref<1x3x512xf32, #tpu.memory_space<vmem>>, vector<1x1x512xf32>
    %get3A_18 = vector.shape_cast %get3A_17 : vector<1x1x512xf32> to vector<512xf32>
    %broadcast_in_dim3A = vector.shape_cast %get3A_18 : vector<512xf32> to vector<1x512xf32>
    %get3A_19 = arith.constant 0 : index
    %get3A_20 = arith.constant 1 : index
    %get3A_21 = arith.constant 0 : index
    %get3A_22 = vector.load %arg3[%get3A_19, %get3A_20, %get3A_21] : memref<1x3x512xf32, #tpu.memory_space<vmem>>, vector<1x1x512xf32>
    %get3A_23 = vector.shape_cast %get3A_22 : vector<1x1x512xf32> to vector<512xf32>
    %broadcast_in_dim3A_24 = vector.shape_cast %get3A_23 : vector<512xf32> to vector<1x512xf32>
    %get3A_25 = arith.constant 0 : index
    %get3A_26 = arith.constant 2 : index
    %get3A_27 = arith.constant 0 : index
    %get3A_28 = vector.load %arg3[%get3A_25, %get3A_26, %get3A_27] : memref<1x3x512xf32, #tpu.memory_space<vmem>>, vector<1x1x512xf32>
    %get3A_29 = vector.shape_cast %get3A_28 : vector<1x1x512xf32> to vector<512xf32>
    %broadcast_in_dim3A_30 = vector.shape_cast %get3A_29 : vector<512xf32> to vector<1x512xf32>
    %sub3A = vector.broadcast %broadcast_in_dim3A : vector<1x512xf32> to vector<8192x512xf32>
    %sub3A_31 = vector.broadcast %get3A_3 : vector<8192x1xf32> to vector<8192x512xf32>
    %sub3A_32 = arith.subf %sub3A, %sub3A_31 : vector<8192x512xf32>
    %sub3A_33 = vector.broadcast %broadcast_in_dim3A_24 : vector<1x512xf32> to vector<8192x512xf32>
    %sub3A_34 = vector.broadcast %get3A_8 : vector<8192x1xf32> to vector<8192x512xf32>
    %sub3A_35 = arith.subf %sub3A_33, %sub3A_34 : vector<8192x512xf32>
    %sub3A_36 = vector.broadcast %broadcast_in_dim3A_30 : vector<1x512xf32> to vector<8192x512xf32>
    %sub3A_37 = vector.broadcast %get3A_13 : vector<8192x1xf32> to vector<8192x512xf32>
    %sub3A_38 = arith.subf %sub3A_36, %sub3A_37 : vector<8192x512xf32>
    %mul3A = arith.mulf %sub3A_32, %sub3A_32 : vector<8192x512xf32>
    %mul3A_39 = arith.mulf %sub3A_35, %sub3A_35 : vector<8192x512xf32>
    %add3A = arith.addf %mul3A, %mul3A_39 : vector<8192x512xf32>
    %mul3A_40 = arith.mulf %sub3A_38, %sub3A_38 : vector<8192x512xf32>
    %add3A_41 = arith.addf %add3A, %mul3A_40 : vector<8192x512xf32>
    %iota3A = tpu.iota {dimensions = array<i32: 0>} : vector<8192x1xi32>
    %and3A = arith.constant 31 : i32
    %and3A_42 = vector.broadcast %and3A : i32 to vector<8192x1xi32>
    %and3A_43 = arith.andi %iota3A, %and3A_42 : vector<8192x1xi32>
    %shift_left3A = arith.constant 1 : i32
    %shift_left3A_44 = vector.broadcast %shift_left3A : i32 to vector<8192x1xi32>
    %shift_left3A_45 = arith.shli %shift_left3A_44, %and3A_43 : vector<8192x1xi32>
    %lt3A = arith.constant 4.000000e-02 : f32
    %lt3A_46 = vector.broadcast %lt3A : f32 to vector<8192x512xf32>
    %lt3A_47 = arith.cmpf olt, %add3A_41, %lt3A_46 : vector<8192x512xf32>
    %jit3A = arith.constant 0 : i32
    %broadcast_in_dim3A_48 = vector.shape_cast %shift_left3A_45 : vector<8192x1xi32> to vector<8192x1xi32>
    %broadcast_in_dim3A_49 = vector.broadcast %broadcast_in_dim3A_48 : vector<8192x1xi32> to vector<8192x512xi32>
    %broadcast_in_dim3A_50 = vector.broadcast %jit3A : i32 to vector<8192x512xi32>
    %select_n3A = arith.select %lt3A_47, %broadcast_in_dim3A_49, %broadcast_in_dim3A_50 : vector<8192x512xi1>, vector<8192x512xi32>
    %reshape3A = vector.shape_cast %select_n3A : vector<8192x512xi32> to vector<256x32x512xi32>
    %reduce_sum3A = arith.constant dense<0> : vector<256x512xi32>
    %reduce_sum3A_51 = vector.multi_reduction <add>, %reshape3A, %reduce_sum3A [1] : vector<256x32x512xi32> to vector<256x512xi32>
    %iota3A_52 = tpu.iota {dimensions = array<i32: 0>} : vector<256x512xi32>
    %mul3A_53 = arith.constant 32 : i32
    %mul3A_54 = vector.broadcast %mul3A_53 : i32 to vector<256x512xi32>
    %mul3A_55 = arith.muli %iota3A_52, %mul3A_54 : vector<256x512xi32>
    %iota3A_56 = tpu.iota {dimensions = array<i32: 0>} : vector<256x512xi32>
    %neg3A = arith.constant 0 : i32
    %neg3A_57 = vector.broadcast %neg3A : i32 to vector<256x512xi32>
    %neg3A_58 = arith.subi %neg3A_57, %reduce_sum3A_51 : vector<256x512xi32>
    %and3A_59 = arith.andi %reduce_sum3A_51, %neg3A_58 : vector<256x512xi32>
    %convert_element_type3A = arith.sitofp %and3A_59 : vector<256x512xi32> to vector<256x512xf32>
    %bitcast_convert_type3A = tpu.bitcast %convert_element_type3A : vector<256x512xf32> -> vector<256x512xi32>
    %shift_right_logical3A = arith.constant 23 : i32
    %shift_right_logical3A_60 = vector.broadcast %shift_right_logical3A : i32 to vector<256x512xi32>
    %shift_right_logical3A_61 = arith.shrui %bitcast_convert_type3A, %shift_right_logical3A_60 : vector<256x512xi32>
    %and3A_62 = arith.constant 255 : i32
    %and3A_63 = vector.broadcast %and3A_62 : i32 to vector<256x512xi32>
    %and3A_64 = arith.andi %shift_right_logical3A_61, %and3A_63 : vector<256x512xi32>
    %sub3A_65 = arith.constant 127 : i32
    %sub3A_66 = vector.broadcast %sub3A_65 : i32 to vector<256x512xi32>
    %sub3A_67 = arith.subi %and3A_64, %sub3A_66 : vector<256x512xi32>
    %ne3A = arith.constant 0 : i32
    %ne3A_68 = vector.broadcast %ne3A : i32 to vector<256x512xi32>
    %ne3A_69 = arith.cmpi ne, %reduce_sum3A_51, %ne3A_68 : vector<256x512xi32>
    %add3A_70 = arith.addi %mul3A_55, %sub3A_67 : vector<256x512xi32>
    %jit3A_71 = arith.constant 8192 : i32
    %broadcast_in_dim3A_72 = vector.broadcast %jit3A_71 : i32 to vector<256x512xi32>
    %select_n3A_73 = arith.select %ne3A_69, %add3A_70, %broadcast_in_dim3A_72 : vector<256x512xi1>, vector<256x512xi32>
    %reduce_min3A = arith.constant dense<2147483647> : vector<512xi32>
    %reduce_min3A_74 = vector.multi_reduction <minsi>, %select_n3A_73, %reduce_min3A [0] : vector<256x512xi32> to vector<512xi32>
    %broadcast_in_dim3A_75 = vector.shape_cast %reduce_min3A_74 : vector<512xi32> to vector<1x512xi32>
    %shift_right_logical3A_76 = arith.constant 5 : i32
    %shift_right_logical3A_77 = vector.broadcast %shift_right_logical3A_76 : i32 to vector<1x512xi32>
    %shift_right_logical3A_78 = arith.shrui %broadcast_in_dim3A_75, %shift_right_logical3A_77 : vector<1x512xi32>
    %eq3A = vector.broadcast %shift_right_logical3A_78 : vector<1x512xi32> to vector<256x512xi32>
    %eq3A_79 = arith.cmpi eq, %iota3A_56, %eq3A : vector<256x512xi32>
    %and3A_80 = arith.constant 31 : i32
    %and3A_81 = vector.broadcast %and3A_80 : i32 to vector<1x512xi32>
    %and3A_82 = arith.andi %broadcast_in_dim3A_75, %and3A_81 : vector<1x512xi32>
    %shift_left3A_83 = arith.constant 1 : i32
    %shift_left3A_84 = vector.broadcast %shift_left3A_83 : i32 to vector<1x512xi32>
    %shift_left3A_85 = arith.shli %shift_left3A_84, %and3A_82 : vector<1x512xi32>
    %xor3A = vector.broadcast %shift_left3A_85 : vector<1x512xi32> to vector<256x512xi32>
    %xor3A_86 = arith.xori %reduce_sum3A_51, %xor3A : vector<256x512xi32>
    %select_n3A_87 = arith.select %eq3A_79, %xor3A_86, %reduce_sum3A_51 : vector<256x512xi1>, vector<256x512xi32>
    %neg3A_88 = arith.constant 0 : i32
    %neg3A_89 = vector.broadcast %neg3A_88 : i32 to vector<256x512xi32>
    %neg3A_90 = arith.subi %neg3A_89, %select_n3A_87 : vector<256x512xi32>
    %and3A_91 = arith.andi %select_n3A_87, %neg3A_90 : vector<256x512xi32>
    %convert_element_type3A_92 = arith.sitofp %and3A_91 : vector<256x512xi32> to vector<256x512xf32>
    %bitcast_convert_type3A_93 = tpu.bitcast %convert_element_type3A_92 : vector<256x512xf32> -> vector<256x512xi32>
    %shift_right_logical3A_94 = arith.constant 23 : i32
    %shift_right_logical3A_95 = vector.broadcast %shift_right_logical3A_94 : i32 to vector<256x512xi32>
    %shift_right_logical3A_96 = arith.shrui %bitcast_convert_type3A_93, %shift_right_logical3A_95 : vector<256x512xi32>
    %and3A_97 = arith.constant 255 : i32
    %and3A_98 = vector.broadcast %and3A_97 : i32 to vector<256x512xi32>
    %and3A_99 = arith.andi %shift_right_logical3A_96, %and3A_98 : vector<256x512xi32>
    %sub3A_100 = arith.constant 127 : i32
    %sub3A_101 = vector.broadcast %sub3A_100 : i32 to vector<256x512xi32>
    %sub3A_102 = arith.subi %and3A_99, %sub3A_101 : vector<256x512xi32>
    %ne3A_103 = arith.constant 0 : i32
    %ne3A_104 = vector.broadcast %ne3A_103 : i32 to vector<256x512xi32>
    %ne3A_105 = arith.cmpi ne, %select_n3A_87, %ne3A_104 : vector<256x512xi32>
    %add3A_106 = arith.addi %mul3A_55, %sub3A_102 : vector<256x512xi32>
    %jit3A_107 = arith.constant 8192 : i32
    %broadcast_in_dim3A_108 = vector.broadcast %jit3A_107 : i32 to vector<256x512xi32>
    %select_n3A_109 = arith.select %ne3A_105, %add3A_106, %broadcast_in_dim3A_108 : vector<256x512xi1>, vector<256x512xi32>
    %reduce_min3A_110 = arith.constant dense<2147483647> : vector<512xi32>
    %reduce_min3A_111 = vector.multi_reduction <minsi>, %select_n3A_109, %reduce_min3A_110 [0] : vector<256x512xi32> to vector<512xi32>
    %broadcast_in_dim3A_112 = vector.shape_cast %reduce_min3A_111 : vector<512xi32> to vector<1x512xi32>
    %eq3A_113 = arith.constant 8192 : i32
    %eq3A_114 = vector.broadcast %eq3A_113 : i32 to vector<1x512xi32>
    %eq3A_115 = arith.cmpi eq, %broadcast_in_dim3A_112, %eq3A_114 : vector<1x512xi32>
    %select_n3A_116 = arith.select %eq3A_115, %broadcast_in_dim3A_75, %broadcast_in_dim3A_112 : vector<1x512xi1>, vector<1x512xi32>
    %shift_right_logical3A_117 = arith.constant 5 : i32
    %shift_right_logical3A_118 = vector.broadcast %shift_right_logical3A_117 : i32 to vector<1x512xi32>
    %shift_right_logical3A_119 = arith.shrui %broadcast_in_dim3A_112, %shift_right_logical3A_118 : vector<1x512xi32>
    %eq3A_120 = vector.broadcast %shift_right_logical3A_119 : vector<1x512xi32> to vector<256x512xi32>
    %eq3A_121 = arith.cmpi eq, %iota3A_56, %eq3A_120 : vector<256x512xi32>
    %and3A_122 = arith.constant 31 : i32
    %and3A_123 = vector.broadcast %and3A_122 : i32 to vector<1x512xi32>
    %and3A_124 = arith.andi %broadcast_in_dim3A_112, %and3A_123 : vector<1x512xi32>
    %shift_left3A_125 = arith.constant 1 : i32
    %shift_left3A_126 = vector.broadcast %shift_left3A_125 : i32 to vector<1x512xi32>
    %shift_left3A_127 = arith.shli %shift_left3A_126, %and3A_124 : vector<1x512xi32>
    %xor3A_128 = vector.broadcast %shift_left3A_127 : vector<1x512xi32> to vector<256x512xi32>
    %xor3A_129 = arith.xori %select_n3A_87, %xor3A_128 : vector<256x512xi32>
    %select_n3A_130 = arith.select %eq3A_121, %xor3A_129, %select_n3A_87 : vector<256x512xi1>, vector<256x512xi32>
    %neg3A_131 = arith.constant 0 : i32
    %neg3A_132 = vector.broadcast %neg3A_131 : i32 to vector<256x512xi32>
    %neg3A_133 = arith.subi %neg3A_132, %select_n3A_130 : vector<256x512xi32>
    %and3A_134 = arith.andi %select_n3A_130, %neg3A_133 : vector<256x512xi32>
    %convert_element_type3A_135 = arith.sitofp %and3A_134 : vector<256x512xi32> to vector<256x512xf32>
    %bitcast_convert_type3A_136 = tpu.bitcast %convert_element_type3A_135 : vector<256x512xf32> -> vector<256x512xi32>
    %shift_right_logical3A_137 = arith.constant 23 : i32
    %shift_right_logical3A_138 = vector.broadcast %shift_right_logical3A_137 : i32 to vector<256x512xi32>
    %shift_right_logical3A_139 = arith.shrui %bitcast_convert_type3A_136, %shift_right_logical3A_138 : vector<256x512xi32>
    %and3A_140 = arith.constant 255 : i32
    %and3A_141 = vector.broadcast %and3A_140 : i32 to vector<256x512xi32>
    %and3A_142 = arith.andi %shift_right_logical3A_139, %and3A_141 : vector<256x512xi32>
    %sub3A_143 = arith.constant 127 : i32
    %sub3A_144 = vector.broadcast %sub3A_143 : i32 to vector<256x512xi32>
    %sub3A_145 = arith.subi %and3A_142, %sub3A_144 : vector<256x512xi32>
    %ne3A_146 = arith.constant 0 : i32
    %ne3A_147 = vector.broadcast %ne3A_146 : i32 to vector<256x512xi32>
    %ne3A_148 = arith.cmpi ne, %select_n3A_130, %ne3A_147 : vector<256x512xi32>
    %add3A_149 = arith.addi %mul3A_55, %sub3A_145 : vector<256x512xi32>
    %jit3A_150 = arith.constant 8192 : i32
    %broadcast_in_dim3A_151 = vector.broadcast %jit3A_150 : i32 to vector<256x512xi32>
    %select_n3A_152 = arith.select %ne3A_148, %add3A_149, %broadcast_in_dim3A_151 : vector<256x512xi1>, vector<256x512xi32>
    %reduce_min3A_153 = arith.constant dense<2147483647> : vector<512xi32>
    %reduce_min3A_154 = vector.multi_reduction <minsi>, %select_n3A_152, %reduce_min3A_153 [0] : vector<256x512xi32> to vector<512xi32>
    %broadcast_in_dim3A_155 = vector.shape_cast %reduce_min3A_154 : vector<512xi32> to vector<1x512xi32>
    %eq3A_156 = arith.constant 8192 : i32
    %eq3A_157 = vector.broadcast %eq3A_156 : i32 to vector<1x512xi32>
    %eq3A_158 = arith.cmpi eq, %broadcast_in_dim3A_155, %eq3A_157 : vector<1x512xi32>
    %select_n3A_159 = arith.select %eq3A_158, %broadcast_in_dim3A_75, %broadcast_in_dim3A_155 : vector<1x512xi1>, vector<1x512xi32>
    %shift_right_logical3A_160 = arith.constant 5 : i32
    %shift_right_logical3A_161 = vector.broadcast %shift_right_logical3A_160 : i32 to vector<1x512xi32>
    %shift_right_logical3A_162 = arith.shrui %broadcast_in_dim3A_155, %shift_right_logical3A_161 : vector<1x512xi32>
    %eq3A_163 = vector.broadcast %shift_right_logical3A_162 : vector<1x512xi32> to vector<256x512xi32>
    %eq3A_164 = arith.cmpi eq, %iota3A_56, %eq3A_163 : vector<256x512xi32>
    %and3A_165 = arith.constant 31 : i32
    %and3A_166 = vector.broadcast %and3A_165 : i32 to vector<1x512xi32>
    %and3A_167 = arith.andi %broadcast_in_dim3A_155, %and3A_166 : vector<1x512xi32>
    %shift_left3A_168 = arith.constant 1 : i32
    %shift_left3A_169 = vector.broadcast %shift_left3A_168 : i32 to vector<1x512xi32>
    %shift_left3A_170 = arith.shli %shift_left3A_169, %and3A_167 : vector<1x512xi32>
    %xor3A_171 = vector.broadcast %shift_left3A_170 : vector<1x512xi32> to vector<256x512xi32>
    %xor3A_172 = arith.xori %select_n3A_130, %xor3A_171 : vector<256x512xi32>
    %select_n3A_173 = arith.select %eq3A_164, %xor3A_172, %select_n3A_130 : vector<256x512xi1>, vector<256x512xi32>
    %neg3A_174 = arith.constant 0 : i32
    %neg3A_175 = vector.broadcast %neg3A_174 : i32 to vector<256x512xi32>
    %neg3A_176 = arith.subi %neg3A_175, %select_n3A_173 : vector<256x512xi32>
    %and3A_177 = arith.andi %select_n3A_173, %neg3A_176 : vector<256x512xi32>
    %convert_element_type3A_178 = arith.sitofp %and3A_177 : vector<256x512xi32> to vector<256x512xf32>
    %bitcast_convert_type3A_179 = tpu.bitcast %convert_element_type3A_178 : vector<256x512xf32> -> vector<256x512xi32>
    %shift_right_logical3A_180 = arith.constant 23 : i32
    %shift_right_logical3A_181 = vector.broadcast %shift_right_logical3A_180 : i32 to vector<256x512xi32>
    %shift_right_logical3A_182 = arith.shrui %bitcast_convert_type3A_179, %shift_right_logical3A_181 : vector<256x512xi32>
    %and3A_183 = arith.constant 255 : i32
    %and3A_184 = vector.broadcast %and3A_183 : i32 to vector<256x512xi32>
    %and3A_185 = arith.andi %shift_right_logical3A_182, %and3A_184 : vector<256x512xi32>
    %sub3A_186 = arith.constant 127 : i32
    %sub3A_187 = vector.broadcast %sub3A_186 : i32 to vector<256x512xi32>
    %sub3A_188 = arith.subi %and3A_185, %sub3A_187 : vector<256x512xi32>
    %ne3A_189 = arith.constant 0 : i32
    %ne3A_190 = vector.broadcast %ne3A_189 : i32 to vector<256x512xi32>
    %ne3A_191 = arith.cmpi ne, %select_n3A_173, %ne3A_190 : vector<256x512xi32>
    %add3A_192 = arith.addi %mul3A_55, %sub3A_188 : vector<256x512xi32>
    %jit3A_193 = arith.constant 8192 : i32
    %broadcast_in_dim3A_194 = vector.broadcast %jit3A_193 : i32 to vector<256x512xi32>
    %select_n3A_195 = arith.select %ne3A_191, %add3A_192, %broadcast_in_dim3A_194 : vector<256x512xi1>, vector<256x512xi32>
    %reduce_min3A_196 = arith.constant dense<2147483647> : vector<512xi32>
    %reduce_min3A_197 = vector.multi_reduction <minsi>, %select_n3A_195, %reduce_min3A_196 [0] : vector<256x512xi32> to vector<512xi32>
    %broadcast_in_dim3A_198 = vector.shape_cast %reduce_min3A_197 : vector<512xi32> to vector<1x512xi32>
    %eq3A_199 = arith.constant 8192 : i32
    %eq3A_200 = vector.broadcast %eq3A_199 : i32 to vector<1x512xi32>
    %eq3A_201 = arith.cmpi eq, %broadcast_in_dim3A_198, %eq3A_200 : vector<1x512xi32>
    %select_n3A_202 = arith.select %eq3A_201, %broadcast_in_dim3A_75, %broadcast_in_dim3A_198 : vector<1x512xi1>, vector<1x512xi32>
    %shift_right_logical3A_203 = arith.constant 5 : i32
    %shift_right_logical3A_204 = vector.broadcast %shift_right_logical3A_203 : i32 to vector<1x512xi32>
    %shift_right_logical3A_205 = arith.shrui %broadcast_in_dim3A_198, %shift_right_logical3A_204 : vector<1x512xi32>
    %eq3A_206 = vector.broadcast %shift_right_logical3A_205 : vector<1x512xi32> to vector<256x512xi32>
    %eq3A_207 = arith.cmpi eq, %iota3A_56, %eq3A_206 : vector<256x512xi32>
    %and3A_208 = arith.constant 31 : i32
    %and3A_209 = vector.broadcast %and3A_208 : i32 to vector<1x512xi32>
    %and3A_210 = arith.andi %broadcast_in_dim3A_198, %and3A_209 : vector<1x512xi32>
    %shift_left3A_211 = arith.constant 1 : i32
    %shift_left3A_212 = vector.broadcast %shift_left3A_211 : i32 to vector<1x512xi32>
    %shift_left3A_213 = arith.shli %shift_left3A_212, %and3A_210 : vector<1x512xi32>
    %xor3A_214 = vector.broadcast %shift_left3A_213 : vector<1x512xi32> to vector<256x512xi32>
    %xor3A_215 = arith.xori %select_n3A_173, %xor3A_214 : vector<256x512xi32>
    %select_n3A_216 = arith.select %eq3A_207, %xor3A_215, %select_n3A_173 : vector<256x512xi1>, vector<256x512xi32>
    %neg3A_217 = arith.constant 0 : i32
    %neg3A_218 = vector.broadcast %neg3A_217 : i32 to vector<256x512xi32>
    %neg3A_219 = arith.subi %neg3A_218, %select_n3A_216 : vector<256x512xi32>
    %and3A_220 = arith.andi %select_n3A_216, %neg3A_219 : vector<256x512xi32>
    %convert_element_type3A_221 = arith.sitofp %and3A_220 : vector<256x512xi32> to vector<256x512xf32>
    %bitcast_convert_type3A_222 = tpu.bitcast %convert_element_type3A_221 : vector<256x512xf32> -> vector<256x512xi32>
    %shift_right_logical3A_223 = arith.constant 23 : i32
    %shift_right_logical3A_224 = vector.broadcast %shift_right_logical3A_223 : i32 to vector<256x512xi32>
    %shift_right_logical3A_225 = arith.shrui %bitcast_convert_type3A_222, %shift_right_logical3A_224 : vector<256x512xi32>
    %and3A_226 = arith.constant 255 : i32
    %and3A_227 = vector.broadcast %and3A_226 : i32 to vector<256x512xi32>
    %and3A_228 = arith.andi %shift_right_logical3A_225, %and3A_227 : vector<256x512xi32>
    %sub3A_229 = arith.constant 127 : i32
    %sub3A_230 = vector.broadcast %sub3A_229 : i32 to vector<256x512xi32>
    %sub3A_231 = arith.subi %and3A_228, %sub3A_230 : vector<256x512xi32>
    %ne3A_232 = arith.constant 0 : i32
    %ne3A_233 = vector.broadcast %ne3A_232 : i32 to vector<256x512xi32>
    %ne3A_234 = arith.cmpi ne, %select_n3A_216, %ne3A_233 : vector<256x512xi32>
    %add3A_235 = arith.addi %mul3A_55, %sub3A_231 : vector<256x512xi32>
    %jit3A_236 = arith.constant 8192 : i32
    %broadcast_in_dim3A_237 = vector.broadcast %jit3A_236 : i32 to vector<256x512xi32>
    %select_n3A_238 = arith.select %ne3A_234, %add3A_235, %broadcast_in_dim3A_237 : vector<256x512xi1>, vector<256x512xi32>
    %reduce_min3A_239 = arith.constant dense<2147483647> : vector<512xi32>
    %reduce_min3A_240 = vector.multi_reduction <minsi>, %select_n3A_238, %reduce_min3A_239 [0] : vector<256x512xi32> to vector<512xi32>
    %broadcast_in_dim3A_241 = vector.shape_cast %reduce_min3A_240 : vector<512xi32> to vector<1x512xi32>
    %eq3A_242 = arith.constant 8192 : i32
    %eq3A_243 = vector.broadcast %eq3A_242 : i32 to vector<1x512xi32>
    %eq3A_244 = arith.cmpi eq, %broadcast_in_dim3A_241, %eq3A_243 : vector<1x512xi32>
    %select_n3A_245 = arith.select %eq3A_244, %broadcast_in_dim3A_75, %broadcast_in_dim3A_241 : vector<1x512xi1>, vector<1x512xi32>
    %shift_right_logical3A_246 = arith.constant 5 : i32
    %shift_right_logical3A_247 = vector.broadcast %shift_right_logical3A_246 : i32 to vector<1x512xi32>
    %shift_right_logical3A_248 = arith.shrui %broadcast_in_dim3A_241, %shift_right_logical3A_247 : vector<1x512xi32>
    %eq3A_249 = vector.broadcast %shift_right_logical3A_248 : vector<1x512xi32> to vector<256x512xi32>
    %eq3A_250 = arith.cmpi eq, %iota3A_56, %eq3A_249 : vector<256x512xi32>
    %and3A_251 = arith.constant 31 : i32
    %and3A_252 = vector.broadcast %and3A_251 : i32 to vector<1x512xi32>
    %and3A_253 = arith.andi %broadcast_in_dim3A_241, %and3A_252 : vector<1x512xi32>
    %shift_left3A_254 = arith.constant 1 : i32
    %shift_left3A_255 = vector.broadcast %shift_left3A_254 : i32 to vector<1x512xi32>
    %shift_left3A_256 = arith.shli %shift_left3A_255, %and3A_253 : vector<1x512xi32>
    %xor3A_257 = vector.broadcast %shift_left3A_256 : vector<1x512xi32> to vector<256x512xi32>
    %xor3A_258 = arith.xori %select_n3A_216, %xor3A_257 : vector<256x512xi32>
    %select_n3A_259 = arith.select %eq3A_250, %xor3A_258, %select_n3A_216 : vector<256x512xi1>, vector<256x512xi32>
    %neg3A_260 = arith.constant 0 : i32
    %neg3A_261 = vector.broadcast %neg3A_260 : i32 to vector<256x512xi32>
    %neg3A_262 = arith.subi %neg3A_261, %select_n3A_259 : vector<256x512xi32>
    %and3A_263 = arith.andi %select_n3A_259, %neg3A_262 : vector<256x512xi32>
    %convert_element_type3A_264 = arith.sitofp %and3A_263 : vector<256x512xi32> to vector<256x512xf32>
    %bitcast_convert_type3A_265 = tpu.bitcast %convert_element_type3A_264 : vector<256x512xf32> -> vector<256x512xi32>
    %shift_right_logical3A_266 = arith.constant 23 : i32
    %shift_right_logical3A_267 = vector.broadcast %shift_right_logical3A_266 : i32 to vector<256x512xi32>
    %shift_right_logical3A_268 = arith.shrui %bitcast_convert_type3A_265, %shift_right_logical3A_267 : vector<256x512xi32>
    %and3A_269 = arith.constant 255 : i32
    %and3A_270 = vector.broadcast %and3A_269 : i32 to vector<256x512xi32>
    %and3A_271 = arith.andi %shift_right_logical3A_268, %and3A_270 : vector<256x512xi32>
    %sub3A_272 = arith.constant 127 : i32
    %sub3A_273 = vector.broadcast %sub3A_272 : i32 to vector<256x512xi32>
    %sub3A_274 = arith.subi %and3A_271, %sub3A_273 : vector<256x512xi32>
    %ne3A_275 = arith.constant 0 : i32
    %ne3A_276 = vector.broadcast %ne3A_275 : i32 to vector<256x512xi32>
    %ne3A_277 = arith.cmpi ne, %select_n3A_259, %ne3A_276 : vector<256x512xi32>
    %add3A_278 = arith.addi %mul3A_55, %sub3A_274 : vector<256x512xi32>
    %jit3A_279 = arith.constant 8192 : i32
    %broadcast_in_dim3A_280 = vector.broadcast %jit3A_279 : i32 to vector<256x512xi32>
    %select_n3A_281 = arith.select %ne3A_277, %add3A_278, %broadcast_in_dim3A_280 : vector<256x512xi1>, vector<256x512xi32>
    %reduce_min3A_282 = arith.constant dense<2147483647> : vector<512xi32>
    %reduce_min3A_283 = vector.multi_reduction <minsi>, %select_n3A_281, %reduce_min3A_282 [0] : vector<256x512xi32> to vector<512xi32>
    %broadcast_in_dim3A_284 = vector.shape_cast %reduce_min3A_283 : vector<512xi32> to vector<1x512xi32>
    %eq3A_285 = arith.constant 8192 : i32
    %eq3A_286 = vector.broadcast %eq3A_285 : i32 to vector<1x512xi32>
    %eq3A_287 = arith.cmpi eq, %broadcast_in_dim3A_284, %eq3A_286 : vector<1x512xi32>
    %select_n3A_288 = arith.select %eq3A_287, %broadcast_in_dim3A_75, %broadcast_in_dim3A_284 : vector<1x512xi1>, vector<1x512xi32>
    %shift_right_logical3A_289 = arith.constant 5 : i32
    %shift_right_logical3A_290 = vector.broadcast %shift_right_logical3A_289 : i32 to vector<1x512xi32>
    %shift_right_logical3A_291 = arith.shrui %broadcast_in_dim3A_284, %shift_right_logical3A_290 : vector<1x512xi32>
    %eq3A_292 = vector.broadcast %shift_right_logical3A_291 : vector<1x512xi32> to vector<256x512xi32>
    %eq3A_293 = arith.cmpi eq, %iota3A_56, %eq3A_292 : vector<256x512xi32>
    %and3A_294 = arith.constant 31 : i32
    %and3A_295 = vector.broadcast %and3A_294 : i32 to vector<1x512xi32>
    %and3A_296 = arith.andi %broadcast_in_dim3A_284, %and3A_295 : vector<1x512xi32>
    %shift_left3A_297 = arith.constant 1 : i32
    %shift_left3A_298 = vector.broadcast %shift_left3A_297 : i32 to vector<1x512xi32>
    %shift_left3A_299 = arith.shli %shift_left3A_298, %and3A_296 : vector<1x512xi32>
    %xor3A_300 = vector.broadcast %shift_left3A_299 : vector<1x512xi32> to vector<256x512xi32>
    %xor3A_301 = arith.xori %select_n3A_259, %xor3A_300 : vector<256x512xi32>
    %select_n3A_302 = arith.select %eq3A_293, %xor3A_301, %select_n3A_259 : vector<256x512xi1>, vector<256x512xi32>
    %neg3A_303 = arith.constant 0 : i32
    %neg3A_304 = vector.broadcast %neg3A_303 : i32 to vector<256x512xi32>
    %neg3A_305 = arith.subi %neg3A_304, %select_n3A_302 : vector<256x512xi32>
    %and3A_306 = arith.andi %select_n3A_302, %neg3A_305 : vector<256x512xi32>
    %convert_element_type3A_307 = arith.sitofp %and3A_306 : vector<256x512xi32> to vector<256x512xf32>
    %bitcast_convert_type3A_308 = tpu.bitcast %convert_element_type3A_307 : vector<256x512xf32> -> vector<256x512xi32>
    %shift_right_logical3A_309 = arith.constant 23 : i32
    %shift_right_logical3A_310 = vector.broadcast %shift_right_logical3A_309 : i32 to vector<256x512xi32>
    %shift_right_logical3A_311 = arith.shrui %bitcast_convert_type3A_308, %shift_right_logical3A_310 : vector<256x512xi32>
    %and3A_312 = arith.constant 255 : i32
    %and3A_313 = vector.broadcast %and3A_312 : i32 to vector<256x512xi32>
    %and3A_314 = arith.andi %shift_right_logical3A_311, %and3A_313 : vector<256x512xi32>
    %sub3A_315 = arith.constant 127 : i32
    %sub3A_316 = vector.broadcast %sub3A_315 : i32 to vector<256x512xi32>
    %sub3A_317 = arith.subi %and3A_314, %sub3A_316 : vector<256x512xi32>
    %ne3A_318 = arith.constant 0 : i32
    %ne3A_319 = vector.broadcast %ne3A_318 : i32 to vector<256x512xi32>
    %ne3A_320 = arith.cmpi ne, %select_n3A_302, %ne3A_319 : vector<256x512xi32>
    %add3A_321 = arith.addi %mul3A_55, %sub3A_317 : vector<256x512xi32>
    %jit3A_322 = arith.constant 8192 : i32
    %broadcast_in_dim3A_323 = vector.broadcast %jit3A_322 : i32 to vector<256x512xi32>
    %select_n3A_324 = arith.select %ne3A_320, %add3A_321, %broadcast_in_dim3A_323 : vector<256x512xi1>, vector<256x512xi32>
    %reduce_min3A_325 = arith.constant dense<2147483647> : vector<512xi32>
    %reduce_min3A_326 = vector.multi_reduction <minsi>, %select_n3A_324, %reduce_min3A_325 [0] : vector<256x512xi32> to vector<512xi32>
    %broadcast_in_dim3A_327 = vector.shape_cast %reduce_min3A_326 : vector<512xi32> to vector<1x512xi32>
    %eq3A_328 = arith.constant 8192 : i32
    %eq3A_329 = vector.broadcast %eq3A_328 : i32 to vector<1x512xi32>
    %eq3A_330 = arith.cmpi eq, %broadcast_in_dim3A_327, %eq3A_329 : vector<1x512xi32>
    %select_n3A_331 = arith.select %eq3A_330, %broadcast_in_dim3A_75, %broadcast_in_dim3A_327 : vector<1x512xi1>, vector<1x512xi32>
    %shift_right_logical3A_332 = arith.constant 5 : i32
    %shift_right_logical3A_333 = vector.broadcast %shift_right_logical3A_332 : i32 to vector<1x512xi32>
    %shift_right_logical3A_334 = arith.shrui %broadcast_in_dim3A_327, %shift_right_logical3A_333 : vector<1x512xi32>
    %eq3A_335 = vector.broadcast %shift_right_logical3A_334 : vector<1x512xi32> to vector<256x512xi32>
    %eq3A_336 = arith.cmpi eq, %iota3A_56, %eq3A_335 : vector<256x512xi32>
    %and3A_337 = arith.constant 31 : i32
    %and3A_338 = vector.broadcast %and3A_337 : i32 to vector<1x512xi32>
    %and3A_339 = arith.andi %broadcast_in_dim3A_327, %and3A_338 : vector<1x512xi32>
    %shift_left3A_340 = arith.constant 1 : i32
    %shift_left3A_341 = vector.broadcast %shift_left3A_340 : i32 to vector<1x512xi32>
    %shift_left3A_342 = arith.shli %shift_left3A_341, %and3A_339 : vector<1x512xi32>
    %xor3A_343 = vector.broadcast %shift_left3A_342 : vector<1x512xi32> to vector<256x512xi32>
    %xor3A_344 = arith.xori %select_n3A_302, %xor3A_343 : vector<256x512xi32>
    %select_n3A_345 = arith.select %eq3A_336, %xor3A_344, %select_n3A_302 : vector<256x512xi1>, vector<256x512xi32>
    %neg3A_346 = arith.constant 0 : i32
    %neg3A_347 = vector.broadcast %neg3A_346 : i32 to vector<256x512xi32>
    %neg3A_348 = arith.subi %neg3A_347, %select_n3A_345 : vector<256x512xi32>
    %and3A_349 = arith.andi %select_n3A_345, %neg3A_348 : vector<256x512xi32>
    %convert_element_type3A_350 = arith.sitofp %and3A_349 : vector<256x512xi32> to vector<256x512xf32>
    %bitcast_convert_type3A_351 = tpu.bitcast %convert_element_type3A_350 : vector<256x512xf32> -> vector<256x512xi32>
    %shift_right_logical3A_352 = arith.constant 23 : i32
    %shift_right_logical3A_353 = vector.broadcast %shift_right_logical3A_352 : i32 to vector<256x512xi32>
    %shift_right_logical3A_354 = arith.shrui %bitcast_convert_type3A_351, %shift_right_logical3A_353 : vector<256x512xi32>
    %and3A_355 = arith.constant 255 : i32
    %and3A_356 = vector.broadcast %and3A_355 : i32 to vector<256x512xi32>
    %and3A_357 = arith.andi %shift_right_logical3A_354, %and3A_356 : vector<256x512xi32>
    %sub3A_358 = arith.constant 127 : i32
    %sub3A_359 = vector.broadcast %sub3A_358 : i32 to vector<256x512xi32>
    %sub3A_360 = arith.subi %and3A_357, %sub3A_359 : vector<256x512xi32>
    %ne3A_361 = arith.constant 0 : i32
    %ne3A_362 = vector.broadcast %ne3A_361 : i32 to vector<256x512xi32>
    %ne3A_363 = arith.cmpi ne, %select_n3A_345, %ne3A_362 : vector<256x512xi32>
    %add3A_364 = arith.addi %mul3A_55, %sub3A_360 : vector<256x512xi32>
    %jit3A_365 = arith.constant 8192 : i32
    %broadcast_in_dim3A_366 = vector.broadcast %jit3A_365 : i32 to vector<256x512xi32>
    %select_n3A_367 = arith.select %ne3A_363, %add3A_364, %broadcast_in_dim3A_366 : vector<256x512xi1>, vector<256x512xi32>
    %reduce_min3A_368 = arith.constant dense<2147483647> : vector<512xi32>
    %reduce_min3A_369 = vector.multi_reduction <minsi>, %select_n3A_367, %reduce_min3A_368 [0] : vector<256x512xi32> to vector<512xi32>
    %broadcast_in_dim3A_370 = vector.shape_cast %reduce_min3A_369 : vector<512xi32> to vector<1x512xi32>
    %eq3A_371 = arith.constant 8192 : i32
    %eq3A_372 = vector.broadcast %eq3A_371 : i32 to vector<1x512xi32>
    %eq3A_373 = arith.cmpi eq, %broadcast_in_dim3A_370, %eq3A_372 : vector<1x512xi32>
    %select_n3A_374 = arith.select %eq3A_373, %broadcast_in_dim3A_75, %broadcast_in_dim3A_370 : vector<1x512xi1>, vector<1x512xi32>
    %shift_right_logical3A_375 = arith.constant 5 : i32
    %shift_right_logical3A_376 = vector.broadcast %shift_right_logical3A_375 : i32 to vector<1x512xi32>
    %shift_right_logical3A_377 = arith.shrui %broadcast_in_dim3A_370, %shift_right_logical3A_376 : vector<1x512xi32>
    %eq3A_378 = vector.broadcast %shift_right_logical3A_377 : vector<1x512xi32> to vector<256x512xi32>
    %eq3A_379 = arith.cmpi eq, %iota3A_56, %eq3A_378 : vector<256x512xi32>
    %and3A_380 = arith.constant 31 : i32
    %and3A_381 = vector.broadcast %and3A_380 : i32 to vector<1x512xi32>
    %and3A_382 = arith.andi %broadcast_in_dim3A_370, %and3A_381 : vector<1x512xi32>
    %shift_left3A_383 = arith.constant 1 : i32
    %shift_left3A_384 = vector.broadcast %shift_left3A_383 : i32 to vector<1x512xi32>
    %shift_left3A_385 = arith.shli %shift_left3A_384, %and3A_382 : vector<1x512xi32>
    %xor3A_386 = vector.broadcast %shift_left3A_385 : vector<1x512xi32> to vector<256x512xi32>
    %xor3A_387 = arith.xori %select_n3A_345, %xor3A_386 : vector<256x512xi32>
    %select_n3A_388 = arith.select %eq3A_379, %xor3A_387, %select_n3A_345 : vector<256x512xi1>, vector<256x512xi32>
    %neg3A_389 = arith.constant 0 : i32
    %neg3A_390 = vector.broadcast %neg3A_389 : i32 to vector<256x512xi32>
    %neg3A_391 = arith.subi %neg3A_390, %select_n3A_388 : vector<256x512xi32>
    %and3A_392 = arith.andi %select_n3A_388, %neg3A_391 : vector<256x512xi32>
    %convert_element_type3A_393 = arith.sitofp %and3A_392 : vector<256x512xi32> to vector<256x512xf32>
    %bitcast_convert_type3A_394 = tpu.bitcast %convert_element_type3A_393 : vector<256x512xf32> -> vector<256x512xi32>
    %shift_right_logical3A_395 = arith.constant 23 : i32
    %shift_right_logical3A_396 = vector.broadcast %shift_right_logical3A_395 : i32 to vector<256x512xi32>
    %shift_right_logical3A_397 = arith.shrui %bitcast_convert_type3A_394, %shift_right_logical3A_396 : vector<256x512xi32>
    %and3A_398 = arith.constant 255 : i32
    %and3A_399 = vector.broadcast %and3A_398 : i32 to vector<256x512xi32>
    %and3A_400 = arith.andi %shift_right_logical3A_397, %and3A_399 : vector<256x512xi32>
    %sub3A_401 = arith.constant 127 : i32
    %sub3A_402 = vector.broadcast %sub3A_401 : i32 to vector<256x512xi32>
    %sub3A_403 = arith.subi %and3A_400, %sub3A_402 : vector<256x512xi32>
    %ne3A_404 = arith.constant 0 : i32
    %ne3A_405 = vector.broadcast %ne3A_404 : i32 to vector<256x512xi32>
    %ne3A_406 = arith.cmpi ne, %select_n3A_388, %ne3A_405 : vector<256x512xi32>
    %add3A_407 = arith.addi %mul3A_55, %sub3A_403 : vector<256x512xi32>
    %jit3A_408 = arith.constant 8192 : i32
    %broadcast_in_dim3A_409 = vector.broadcast %jit3A_408 : i32 to vector<256x512xi32>
    %select_n3A_410 = arith.select %ne3A_406, %add3A_407, %broadcast_in_dim3A_409 : vector<256x512xi1>, vector<256x512xi32>
    %reduce_min3A_411 = arith.constant dense<2147483647> : vector<512xi32>
    %reduce_min3A_412 = vector.multi_reduction <minsi>, %select_n3A_410, %reduce_min3A_411 [0] : vector<256x512xi32> to vector<512xi32>
    %broadcast_in_dim3A_413 = vector.shape_cast %reduce_min3A_412 : vector<512xi32> to vector<1x512xi32>
    %eq3A_414 = arith.constant 8192 : i32
    %eq3A_415 = vector.broadcast %eq3A_414 : i32 to vector<1x512xi32>
    %eq3A_416 = arith.cmpi eq, %broadcast_in_dim3A_413, %eq3A_415 : vector<1x512xi32>
    %select_n3A_417 = arith.select %eq3A_416, %broadcast_in_dim3A_75, %broadcast_in_dim3A_413 : vector<1x512xi1>, vector<1x512xi32>
    %shift_right_logical3A_418 = arith.constant 5 : i32
    %shift_right_logical3A_419 = vector.broadcast %shift_right_logical3A_418 : i32 to vector<1x512xi32>
    %shift_right_logical3A_420 = arith.shrui %broadcast_in_dim3A_413, %shift_right_logical3A_419 : vector<1x512xi32>
    %eq3A_421 = vector.broadcast %shift_right_logical3A_420 : vector<1x512xi32> to vector<256x512xi32>
    %eq3A_422 = arith.cmpi eq, %iota3A_56, %eq3A_421 : vector<256x512xi32>
    %and3A_423 = arith.constant 31 : i32
    %and3A_424 = vector.broadcast %and3A_423 : i32 to vector<1x512xi32>
    %and3A_425 = arith.andi %broadcast_in_dim3A_413, %and3A_424 : vector<1x512xi32>
    %shift_left3A_426 = arith.constant 1 : i32
    %shift_left3A_427 = vector.broadcast %shift_left3A_426 : i32 to vector<1x512xi32>
    %shift_left3A_428 = arith.shli %shift_left3A_427, %and3A_425 : vector<1x512xi32>
    %xor3A_429 = vector.broadcast %shift_left3A_428 : vector<1x512xi32> to vector<256x512xi32>
    %xor3A_430 = arith.xori %select_n3A_388, %xor3A_429 : vector<256x512xi32>
    %select_n3A_431 = arith.select %eq3A_422, %xor3A_430, %select_n3A_388 : vector<256x512xi1>, vector<256x512xi32>
    %neg3A_432 = arith.constant 0 : i32
    %neg3A_433 = vector.broadcast %neg3A_432 : i32 to vector<256x512xi32>
    %neg3A_434 = arith.subi %neg3A_433, %select_n3A_431 : vector<256x512xi32>
    %and3A_435 = arith.andi %select_n3A_431, %neg3A_434 : vector<256x512xi32>
    %convert_element_type3A_436 = arith.sitofp %and3A_435 : vector<256x512xi32> to vector<256x512xf32>
    %bitcast_convert_type3A_437 = tpu.bitcast %convert_element_type3A_436 : vector<256x512xf32> -> vector<256x512xi32>
    %shift_right_logical3A_438 = arith.constant 23 : i32
    %shift_right_logical3A_439 = vector.broadcast %shift_right_logical3A_438 : i32 to vector<256x512xi32>
    %shift_right_logical3A_440 = arith.shrui %bitcast_convert_type3A_437, %shift_right_logical3A_439 : vector<256x512xi32>
    %and3A_441 = arith.constant 255 : i32
    %and3A_442 = vector.broadcast %and3A_441 : i32 to vector<256x512xi32>
    %and3A_443 = arith.andi %shift_right_logical3A_440, %and3A_442 : vector<256x512xi32>
    %sub3A_444 = arith.constant 127 : i32
    %sub3A_445 = vector.broadcast %sub3A_444 : i32 to vector<256x512xi32>
    %sub3A_446 = arith.subi %and3A_443, %sub3A_445 : vector<256x512xi32>
    %ne3A_447 = arith.constant 0 : i32
    %ne3A_448 = vector.broadcast %ne3A_447 : i32 to vector<256x512xi32>
    %ne3A_449 = arith.cmpi ne, %select_n3A_431, %ne3A_448 : vector<256x512xi32>
    %add3A_450 = arith.addi %mul3A_55, %sub3A_446 : vector<256x512xi32>
    %jit3A_451 = arith.constant 8192 : i32
    %broadcast_in_dim3A_452 = vector.broadcast %jit3A_451 : i32 to vector<256x512xi32>
    %select_n3A_453 = arith.select %ne3A_449, %add3A_450, %broadcast_in_dim3A_452 : vector<256x512xi1>, vector<256x512xi32>
    %reduce_min3A_454 = arith.constant dense<2147483647> : vector<512xi32>
    %reduce_min3A_455 = vector.multi_reduction <minsi>, %select_n3A_453, %reduce_min3A_454 [0] : vector<256x512xi32> to vector<512xi32>
    %broadcast_in_dim3A_456 = vector.shape_cast %reduce_min3A_455 : vector<512xi32> to vector<1x512xi32>
    %eq3A_457 = arith.constant 8192 : i32
    %eq3A_458 = vector.broadcast %eq3A_457 : i32 to vector<1x512xi32>
    %eq3A_459 = arith.cmpi eq, %broadcast_in_dim3A_456, %eq3A_458 : vector<1x512xi32>
    %select_n3A_460 = arith.select %eq3A_459, %broadcast_in_dim3A_75, %broadcast_in_dim3A_456 : vector<1x512xi1>, vector<1x512xi32>
    %shift_right_logical3A_461 = arith.constant 5 : i32
    %shift_right_logical3A_462 = vector.broadcast %shift_right_logical3A_461 : i32 to vector<1x512xi32>
    %shift_right_logical3A_463 = arith.shrui %broadcast_in_dim3A_456, %shift_right_logical3A_462 : vector<1x512xi32>
    %eq3A_464 = vector.broadcast %shift_right_logical3A_463 : vector<1x512xi32> to vector<256x512xi32>
    %eq3A_465 = arith.cmpi eq, %iota3A_56, %eq3A_464 : vector<256x512xi32>
    %and3A_466 = arith.constant 31 : i32
    %and3A_467 = vector.broadcast %and3A_466 : i32 to vector<1x512xi32>
    %and3A_468 = arith.andi %broadcast_in_dim3A_456, %and3A_467 : vector<1x512xi32>
    %shift_left3A_469 = arith.constant 1 : i32
    %shift_left3A_470 = vector.broadcast %shift_left3A_469 : i32 to vector<1x512xi32>
    %shift_left3A_471 = arith.shli %shift_left3A_470, %and3A_468 : vector<1x512xi32>
    %xor3A_472 = vector.broadcast %shift_left3A_471 : vector<1x512xi32> to vector<256x512xi32>
    %xor3A_473 = arith.xori %select_n3A_431, %xor3A_472 : vector<256x512xi32>
    %select_n3A_474 = arith.select %eq3A_465, %xor3A_473, %select_n3A_431 : vector<256x512xi1>, vector<256x512xi32>
    %neg3A_475 = arith.constant 0 : i32
    %neg3A_476 = vector.broadcast %neg3A_475 : i32 to vector<256x512xi32>
    %neg3A_477 = arith.subi %neg3A_476, %select_n3A_474 : vector<256x512xi32>
    %and3A_478 = arith.andi %select_n3A_474, %neg3A_477 : vector<256x512xi32>
    %convert_element_type3A_479 = arith.sitofp %and3A_478 : vector<256x512xi32> to vector<256x512xf32>
    %bitcast_convert_type3A_480 = tpu.bitcast %convert_element_type3A_479 : vector<256x512xf32> -> vector<256x512xi32>
    %shift_right_logical3A_481 = arith.constant 23 : i32
    %shift_right_logical3A_482 = vector.broadcast %shift_right_logical3A_481 : i32 to vector<256x512xi32>
    %shift_right_logical3A_483 = arith.shrui %bitcast_convert_type3A_480, %shift_right_logical3A_482 : vector<256x512xi32>
    %and3A_484 = arith.constant 255 : i32
    %and3A_485 = vector.broadcast %and3A_484 : i32 to vector<256x512xi32>
    %and3A_486 = arith.andi %shift_right_logical3A_483, %and3A_485 : vector<256x512xi32>
    %sub3A_487 = arith.constant 127 : i32
    %sub3A_488 = vector.broadcast %sub3A_487 : i32 to vector<256x512xi32>
    %sub3A_489 = arith.subi %and3A_486, %sub3A_488 : vector<256x512xi32>
    %ne3A_490 = arith.constant 0 : i32
    %ne3A_491 = vector.broadcast %ne3A_490 : i32 to vector<256x512xi32>
    %ne3A_492 = arith.cmpi ne, %select_n3A_474, %ne3A_491 : vector<256x512xi32>
    %add3A_493 = arith.addi %mul3A_55, %sub3A_489 : vector<256x512xi32>
    %jit3A_494 = arith.constant 8192 : i32
    %broadcast_in_dim3A_495 = vector.broadcast %jit3A_494 : i32 to vector<256x512xi32>
    %select_n3A_496 = arith.select %ne3A_492, %add3A_493, %broadcast_in_dim3A_495 : vector<256x512xi1>, vector<256x512xi32>
    %reduce_min3A_497 = arith.constant dense<2147483647> : vector<512xi32>
    %reduce_min3A_498 = vector.multi_reduction <minsi>, %select_n3A_496, %reduce_min3A_497 [0] : vector<256x512xi32> to vector<512xi32>
    %broadcast_in_dim3A_499 = vector.shape_cast %reduce_min3A_498 : vector<512xi32> to vector<1x512xi32>
    %eq3A_500 = arith.constant 8192 : i32
    %eq3A_501 = vector.broadcast %eq3A_500 : i32 to vector<1x512xi32>
    %eq3A_502 = arith.cmpi eq, %broadcast_in_dim3A_499, %eq3A_501 : vector<1x512xi32>
    %select_n3A_503 = arith.select %eq3A_502, %broadcast_in_dim3A_75, %broadcast_in_dim3A_499 : vector<1x512xi1>, vector<1x512xi32>
    %shift_right_logical3A_504 = arith.constant 5 : i32
    %shift_right_logical3A_505 = vector.broadcast %shift_right_logical3A_504 : i32 to vector<1x512xi32>
    %shift_right_logical3A_506 = arith.shrui %broadcast_in_dim3A_499, %shift_right_logical3A_505 : vector<1x512xi32>
    %eq3A_507 = vector.broadcast %shift_right_logical3A_506 : vector<1x512xi32> to vector<256x512xi32>
    %eq3A_508 = arith.cmpi eq, %iota3A_56, %eq3A_507 : vector<256x512xi32>
    %and3A_509 = arith.constant 31 : i32
    %and3A_510 = vector.broadcast %and3A_509 : i32 to vector<1x512xi32>
    %and3A_511 = arith.andi %broadcast_in_dim3A_499, %and3A_510 : vector<1x512xi32>
    %shift_left3A_512 = arith.constant 1 : i32
    %shift_left3A_513 = vector.broadcast %shift_left3A_512 : i32 to vector<1x512xi32>
    %shift_left3A_514 = arith.shli %shift_left3A_513, %and3A_511 : vector<1x512xi32>
    %xor3A_515 = vector.broadcast %shift_left3A_514 : vector<1x512xi32> to vector<256x512xi32>
    %xor3A_516 = arith.xori %select_n3A_474, %xor3A_515 : vector<256x512xi32>
    %select_n3A_517 = arith.select %eq3A_508, %xor3A_516, %select_n3A_474 : vector<256x512xi1>, vector<256x512xi32>
    %neg3A_518 = arith.constant 0 : i32
    %neg3A_519 = vector.broadcast %neg3A_518 : i32 to vector<256x512xi32>
    %neg3A_520 = arith.subi %neg3A_519, %select_n3A_517 : vector<256x512xi32>
    %and3A_521 = arith.andi %select_n3A_517, %neg3A_520 : vector<256x512xi32>
    %convert_element_type3A_522 = arith.sitofp %and3A_521 : vector<256x512xi32> to vector<256x512xf32>
    %bitcast_convert_type3A_523 = tpu.bitcast %convert_element_type3A_522 : vector<256x512xf32> -> vector<256x512xi32>
    %shift_right_logical3A_524 = arith.constant 23 : i32
    %shift_right_logical3A_525 = vector.broadcast %shift_right_logical3A_524 : i32 to vector<256x512xi32>
    %shift_right_logical3A_526 = arith.shrui %bitcast_convert_type3A_523, %shift_right_logical3A_525 : vector<256x512xi32>
    %and3A_527 = arith.constant 255 : i32
    %and3A_528 = vector.broadcast %and3A_527 : i32 to vector<256x512xi32>
    %and3A_529 = arith.andi %shift_right_logical3A_526, %and3A_528 : vector<256x512xi32>
    %sub3A_530 = arith.constant 127 : i32
    %sub3A_531 = vector.broadcast %sub3A_530 : i32 to vector<256x512xi32>
    %sub3A_532 = arith.subi %and3A_529, %sub3A_531 : vector<256x512xi32>
    %ne3A_533 = arith.constant 0 : i32
    %ne3A_534 = vector.broadcast %ne3A_533 : i32 to vector<256x512xi32>
    %ne3A_535 = arith.cmpi ne, %select_n3A_517, %ne3A_534 : vector<256x512xi32>
    %add3A_536 = arith.addi %mul3A_55, %sub3A_532 : vector<256x512xi32>
    %jit3A_537 = arith.constant 8192 : i32
    %broadcast_in_dim3A_538 = vector.broadcast %jit3A_537 : i32 to vector<256x512xi32>
    %select_n3A_539 = arith.select %ne3A_535, %add3A_536, %broadcast_in_dim3A_538 : vector<256x512xi1>, vector<256x512xi32>
    %reduce_min3A_540 = arith.constant dense<2147483647> : vector<512xi32>
    %reduce_min3A_541 = vector.multi_reduction <minsi>, %select_n3A_539, %reduce_min3A_540 [0] : vector<256x512xi32> to vector<512xi32>
    %broadcast_in_dim3A_542 = vector.shape_cast %reduce_min3A_541 : vector<512xi32> to vector<1x512xi32>
    %eq3A_543 = arith.constant 8192 : i32
    %eq3A_544 = vector.broadcast %eq3A_543 : i32 to vector<1x512xi32>
    %eq3A_545 = arith.cmpi eq, %broadcast_in_dim3A_542, %eq3A_544 : vector<1x512xi32>
    %select_n3A_546 = arith.select %eq3A_545, %broadcast_in_dim3A_75, %broadcast_in_dim3A_542 : vector<1x512xi1>, vector<1x512xi32>
    %shift_right_logical3A_547 = arith.constant 5 : i32
    %shift_right_logical3A_548 = vector.broadcast %shift_right_logical3A_547 : i32 to vector<1x512xi32>
    %shift_right_logical3A_549 = arith.shrui %broadcast_in_dim3A_542, %shift_right_logical3A_548 : vector<1x512xi32>
    %eq3A_550 = vector.broadcast %shift_right_logical3A_549 : vector<1x512xi32> to vector<256x512xi32>
    %eq3A_551 = arith.cmpi eq, %iota3A_56, %eq3A_550 : vector<256x512xi32>
    %and3A_552 = arith.constant 31 : i32
    %and3A_553 = vector.broadcast %and3A_552 : i32 to vector<1x512xi32>
    %and3A_554 = arith.andi %broadcast_in_dim3A_542, %and3A_553 : vector<1x512xi32>
    %shift_left3A_555 = arith.constant 1 : i32
    %shift_left3A_556 = vector.broadcast %shift_left3A_555 : i32 to vector<1x512xi32>
    %shift_left3A_557 = arith.shli %shift_left3A_556, %and3A_554 : vector<1x512xi32>
    %xor3A_558 = vector.broadcast %shift_left3A_557 : vector<1x512xi32> to vector<256x512xi32>
    %xor3A_559 = arith.xori %select_n3A_517, %xor3A_558 : vector<256x512xi32>
    %select_n3A_560 = arith.select %eq3A_551, %xor3A_559, %select_n3A_517 : vector<256x512xi1>, vector<256x512xi32>
    %neg3A_561 = arith.constant 0 : i32
    %neg3A_562 = vector.broadcast %neg3A_561 : i32 to vector<256x512xi32>
    %neg3A_563 = arith.subi %neg3A_562, %select_n3A_560 : vector<256x512xi32>
    %and3A_564 = arith.andi %select_n3A_560, %neg3A_563 : vector<256x512xi32>
    %convert_element_type3A_565 = arith.sitofp %and3A_564 : vector<256x512xi32> to vector<256x512xf32>
    %bitcast_convert_type3A_566 = tpu.bitcast %convert_element_type3A_565 : vector<256x512xf32> -> vector<256x512xi32>
    %shift_right_logical3A_567 = arith.constant 23 : i32
    %shift_right_logical3A_568 = vector.broadcast %shift_right_logical3A_567 : i32 to vector<256x512xi32>
    %shift_right_logical3A_569 = arith.shrui %bitcast_convert_type3A_566, %shift_right_logical3A_568 : vector<256x512xi32>
    %and3A_570 = arith.constant 255 : i32
    %and3A_571 = vector.broadcast %and3A_570 : i32 to vector<256x512xi32>
    %and3A_572 = arith.andi %shift_right_logical3A_569, %and3A_571 : vector<256x512xi32>
    %sub3A_573 = arith.constant 127 : i32
    %sub3A_574 = vector.broadcast %sub3A_573 : i32 to vector<256x512xi32>
    %sub3A_575 = arith.subi %and3A_572, %sub3A_574 : vector<256x512xi32>
    %ne3A_576 = arith.constant 0 : i32
    %ne3A_577 = vector.broadcast %ne3A_576 : i32 to vector<256x512xi32>
    %ne3A_578 = arith.cmpi ne, %select_n3A_560, %ne3A_577 : vector<256x512xi32>
    %add3A_579 = arith.addi %mul3A_55, %sub3A_575 : vector<256x512xi32>
    %jit3A_580 = arith.constant 8192 : i32
    %broadcast_in_dim3A_581 = vector.broadcast %jit3A_580 : i32 to vector<256x512xi32>
    %select_n3A_582 = arith.select %ne3A_578, %add3A_579, %broadcast_in_dim3A_581 : vector<256x512xi1>, vector<256x512xi32>
    %reduce_min3A_583 = arith.constant dense<2147483647> : vector<512xi32>
    %reduce_min3A_584 = vector.multi_reduction <minsi>, %select_n3A_582, %reduce_min3A_583 [0] : vector<256x512xi32> to vector<512xi32>
    %broadcast_in_dim3A_585 = vector.shape_cast %reduce_min3A_584 : vector<512xi32> to vector<1x512xi32>
    %eq3A_586 = arith.constant 8192 : i32
    %eq3A_587 = vector.broadcast %eq3A_586 : i32 to vector<1x512xi32>
    %eq3A_588 = arith.cmpi eq, %broadcast_in_dim3A_585, %eq3A_587 : vector<1x512xi32>
    %select_n3A_589 = arith.select %eq3A_588, %broadcast_in_dim3A_75, %broadcast_in_dim3A_585 : vector<1x512xi1>, vector<1x512xi32>
    %shift_right_logical3A_590 = arith.constant 5 : i32
    %shift_right_logical3A_591 = vector.broadcast %shift_right_logical3A_590 : i32 to vector<1x512xi32>
    %shift_right_logical3A_592 = arith.shrui %broadcast_in_dim3A_585, %shift_right_logical3A_591 : vector<1x512xi32>
    %eq3A_593 = vector.broadcast %shift_right_logical3A_592 : vector<1x512xi32> to vector<256x512xi32>
    %eq3A_594 = arith.cmpi eq, %iota3A_56, %eq3A_593 : vector<256x512xi32>
    %and3A_595 = arith.constant 31 : i32
    %and3A_596 = vector.broadcast %and3A_595 : i32 to vector<1x512xi32>
    %and3A_597 = arith.andi %broadcast_in_dim3A_585, %and3A_596 : vector<1x512xi32>
    %shift_left3A_598 = arith.constant 1 : i32
    %shift_left3A_599 = vector.broadcast %shift_left3A_598 : i32 to vector<1x512xi32>
    %shift_left3A_600 = arith.shli %shift_left3A_599, %and3A_597 : vector<1x512xi32>
    %xor3A_601 = vector.broadcast %shift_left3A_600 : vector<1x512xi32> to vector<256x512xi32>
    %xor3A_602 = arith.xori %select_n3A_560, %xor3A_601 : vector<256x512xi32>
    %select_n3A_603 = arith.select %eq3A_594, %xor3A_602, %select_n3A_560 : vector<256x512xi1>, vector<256x512xi32>
    %neg3A_604 = arith.constant 0 : i32
    %neg3A_605 = vector.broadcast %neg3A_604 : i32 to vector<256x512xi32>
    %neg3A_606 = arith.subi %neg3A_605, %select_n3A_603 : vector<256x512xi32>
    %and3A_607 = arith.andi %select_n3A_603, %neg3A_606 : vector<256x512xi32>
    %convert_element_type3A_608 = arith.sitofp %and3A_607 : vector<256x512xi32> to vector<256x512xf32>
    %bitcast_convert_type3A_609 = tpu.bitcast %convert_element_type3A_608 : vector<256x512xf32> -> vector<256x512xi32>
    %shift_right_logical3A_610 = arith.constant 23 : i32
    %shift_right_logical3A_611 = vector.broadcast %shift_right_logical3A_610 : i32 to vector<256x512xi32>
    %shift_right_logical3A_612 = arith.shrui %bitcast_convert_type3A_609, %shift_right_logical3A_611 : vector<256x512xi32>
    %and3A_613 = arith.constant 255 : i32
    %and3A_614 = vector.broadcast %and3A_613 : i32 to vector<256x512xi32>
    %and3A_615 = arith.andi %shift_right_logical3A_612, %and3A_614 : vector<256x512xi32>
    %sub3A_616 = arith.constant 127 : i32
    %sub3A_617 = vector.broadcast %sub3A_616 : i32 to vector<256x512xi32>
    %sub3A_618 = arith.subi %and3A_615, %sub3A_617 : vector<256x512xi32>
    %ne3A_619 = arith.constant 0 : i32
    %ne3A_620 = vector.broadcast %ne3A_619 : i32 to vector<256x512xi32>
    %ne3A_621 = arith.cmpi ne, %select_n3A_603, %ne3A_620 : vector<256x512xi32>
    %add3A_622 = arith.addi %mul3A_55, %sub3A_618 : vector<256x512xi32>
    %jit3A_623 = arith.constant 8192 : i32
    %broadcast_in_dim3A_624 = vector.broadcast %jit3A_623 : i32 to vector<256x512xi32>
    %select_n3A_625 = arith.select %ne3A_621, %add3A_622, %broadcast_in_dim3A_624 : vector<256x512xi1>, vector<256x512xi32>
    %reduce_min3A_626 = arith.constant dense<2147483647> : vector<512xi32>
    %reduce_min3A_627 = vector.multi_reduction <minsi>, %select_n3A_625, %reduce_min3A_626 [0] : vector<256x512xi32> to vector<512xi32>
    %broadcast_in_dim3A_628 = vector.shape_cast %reduce_min3A_627 : vector<512xi32> to vector<1x512xi32>
    %eq3A_629 = arith.constant 8192 : i32
    %eq3A_630 = vector.broadcast %eq3A_629 : i32 to vector<1x512xi32>
    %eq3A_631 = arith.cmpi eq, %broadcast_in_dim3A_628, %eq3A_630 : vector<1x512xi32>
    %select_n3A_632 = arith.select %eq3A_631, %broadcast_in_dim3A_75, %broadcast_in_dim3A_628 : vector<1x512xi1>, vector<1x512xi32>
    %shift_right_logical3A_633 = arith.constant 5 : i32
    %shift_right_logical3A_634 = vector.broadcast %shift_right_logical3A_633 : i32 to vector<1x512xi32>
    %shift_right_logical3A_635 = arith.shrui %broadcast_in_dim3A_628, %shift_right_logical3A_634 : vector<1x512xi32>
    %eq3A_636 = vector.broadcast %shift_right_logical3A_635 : vector<1x512xi32> to vector<256x512xi32>
    %eq3A_637 = arith.cmpi eq, %iota3A_56, %eq3A_636 : vector<256x512xi32>
    %and3A_638 = arith.constant 31 : i32
    %and3A_639 = vector.broadcast %and3A_638 : i32 to vector<1x512xi32>
    %and3A_640 = arith.andi %broadcast_in_dim3A_628, %and3A_639 : vector<1x512xi32>
    %shift_left3A_641 = arith.constant 1 : i32
    %shift_left3A_642 = vector.broadcast %shift_left3A_641 : i32 to vector<1x512xi32>
    %shift_left3A_643 = arith.shli %shift_left3A_642, %and3A_640 : vector<1x512xi32>
    %xor3A_644 = vector.broadcast %shift_left3A_643 : vector<1x512xi32> to vector<256x512xi32>
    %xor3A_645 = arith.xori %select_n3A_603, %xor3A_644 : vector<256x512xi32>
    %select_n3A_646 = arith.select %eq3A_637, %xor3A_645, %select_n3A_603 : vector<256x512xi1>, vector<256x512xi32>
    %neg3A_647 = arith.constant 0 : i32
    %neg3A_648 = vector.broadcast %neg3A_647 : i32 to vector<256x512xi32>
    %neg3A_649 = arith.subi %neg3A_648, %select_n3A_646 : vector<256x512xi32>
    %and3A_650 = arith.andi %select_n3A_646, %neg3A_649 : vector<256x512xi32>
    %convert_element_type3A_651 = arith.sitofp %and3A_650 : vector<256x512xi32> to vector<256x512xf32>
    %bitcast_convert_type3A_652 = tpu.bitcast %convert_element_type3A_651 : vector<256x512xf32> -> vector<256x512xi32>
    %shift_right_logical3A_653 = arith.constant 23 : i32
    %shift_right_logical3A_654 = vector.broadcast %shift_right_logical3A_653 : i32 to vector<256x512xi32>
    %shift_right_logical3A_655 = arith.shrui %bitcast_convert_type3A_652, %shift_right_logical3A_654 : vector<256x512xi32>
    %and3A_656 = arith.constant 255 : i32
    %and3A_657 = vector.broadcast %and3A_656 : i32 to vector<256x512xi32>
    %and3A_658 = arith.andi %shift_right_logical3A_655, %and3A_657 : vector<256x512xi32>
    %sub3A_659 = arith.constant 127 : i32
    %sub3A_660 = vector.broadcast %sub3A_659 : i32 to vector<256x512xi32>
    %sub3A_661 = arith.subi %and3A_658, %sub3A_660 : vector<256x512xi32>
    %ne3A_662 = arith.constant 0 : i32
    %ne3A_663 = vector.broadcast %ne3A_662 : i32 to vector<256x512xi32>
    %ne3A_664 = arith.cmpi ne, %select_n3A_646, %ne3A_663 : vector<256x512xi32>
    %add3A_665 = arith.addi %mul3A_55, %sub3A_661 : vector<256x512xi32>
    %jit3A_666 = arith.constant 8192 : i32
    %broadcast_in_dim3A_667 = vector.broadcast %jit3A_666 : i32 to vector<256x512xi32>
    %select_n3A_668 = arith.select %ne3A_664, %add3A_665, %broadcast_in_dim3A_667 : vector<256x512xi1>, vector<256x512xi32>
    %reduce_min3A_669 = arith.constant dense<2147483647> : vector<512xi32>
    %reduce_min3A_670 = vector.multi_reduction <minsi>, %select_n3A_668, %reduce_min3A_669 [0] : vector<256x512xi32> to vector<512xi32>
    %broadcast_in_dim3A_671 = vector.shape_cast %reduce_min3A_670 : vector<512xi32> to vector<1x512xi32>
    %eq3A_672 = arith.constant 8192 : i32
    %eq3A_673 = vector.broadcast %eq3A_672 : i32 to vector<1x512xi32>
    %eq3A_674 = arith.cmpi eq, %broadcast_in_dim3A_671, %eq3A_673 : vector<1x512xi32>
    %select_n3A_675 = arith.select %eq3A_674, %broadcast_in_dim3A_75, %broadcast_in_dim3A_671 : vector<1x512xi1>, vector<1x512xi32>
    %shift_right_logical3A_676 = arith.constant 5 : i32
    %shift_right_logical3A_677 = vector.broadcast %shift_right_logical3A_676 : i32 to vector<1x512xi32>
    %shift_right_logical3A_678 = arith.shrui %broadcast_in_dim3A_671, %shift_right_logical3A_677 : vector<1x512xi32>
    %eq3A_679 = vector.broadcast %shift_right_logical3A_678 : vector<1x512xi32> to vector<256x512xi32>
    %eq3A_680 = arith.cmpi eq, %iota3A_56, %eq3A_679 : vector<256x512xi32>
    %and3A_681 = arith.constant 31 : i32
    %and3A_682 = vector.broadcast %and3A_681 : i32 to vector<1x512xi32>
    %and3A_683 = arith.andi %broadcast_in_dim3A_671, %and3A_682 : vector<1x512xi32>
    %shift_left3A_684 = arith.constant 1 : i32
    %shift_left3A_685 = vector.broadcast %shift_left3A_684 : i32 to vector<1x512xi32>
    %shift_left3A_686 = arith.shli %shift_left3A_685, %and3A_683 : vector<1x512xi32>
    %xor3A_687 = vector.broadcast %shift_left3A_686 : vector<1x512xi32> to vector<256x512xi32>
    %xor3A_688 = arith.xori %select_n3A_646, %xor3A_687 : vector<256x512xi32>
    %select_n3A_689 = arith.select %eq3A_680, %xor3A_688, %select_n3A_646 : vector<256x512xi1>, vector<256x512xi32>
    %neg3A_690 = arith.constant 0 : i32
    %neg3A_691 = vector.broadcast %neg3A_690 : i32 to vector<256x512xi32>
    %neg3A_692 = arith.subi %neg3A_691, %select_n3A_689 : vector<256x512xi32>
    %and3A_693 = arith.andi %select_n3A_689, %neg3A_692 : vector<256x512xi32>
    %convert_element_type3A_694 = arith.sitofp %and3A_693 : vector<256x512xi32> to vector<256x512xf32>
    %bitcast_convert_type3A_695 = tpu.bitcast %convert_element_type3A_694 : vector<256x512xf32> -> vector<256x512xi32>
    %shift_right_logical3A_696 = arith.constant 23 : i32
    %shift_right_logical3A_697 = vector.broadcast %shift_right_logical3A_696 : i32 to vector<256x512xi32>
    %shift_right_logical3A_698 = arith.shrui %bitcast_convert_type3A_695, %shift_right_logical3A_697 : vector<256x512xi32>
    %and3A_699 = arith.constant 255 : i32
    %and3A_700 = vector.broadcast %and3A_699 : i32 to vector<256x512xi32>
    %and3A_701 = arith.andi %shift_right_logical3A_698, %and3A_700 : vector<256x512xi32>
    %sub3A_702 = arith.constant 127 : i32
    %sub3A_703 = vector.broadcast %sub3A_702 : i32 to vector<256x512xi32>
    %sub3A_704 = arith.subi %and3A_701, %sub3A_703 : vector<256x512xi32>
    %ne3A_705 = arith.constant 0 : i32
    %ne3A_706 = vector.broadcast %ne3A_705 : i32 to vector<256x512xi32>
    %ne3A_707 = arith.cmpi ne, %select_n3A_689, %ne3A_706 : vector<256x512xi32>
    %add3A_708 = arith.addi %mul3A_55, %sub3A_704 : vector<256x512xi32>
    %jit3A_709 = arith.constant 8192 : i32
    %broadcast_in_dim3A_710 = vector.broadcast %jit3A_709 : i32 to vector<256x512xi32>
    %select_n3A_711 = arith.select %ne3A_707, %add3A_708, %broadcast_in_dim3A_710 : vector<256x512xi1>, vector<256x512xi32>
    %reduce_min3A_712 = arith.constant dense<2147483647> : vector<512xi32>
    %reduce_min3A_713 = vector.multi_reduction <minsi>, %select_n3A_711, %reduce_min3A_712 [0] : vector<256x512xi32> to vector<512xi32>
    %broadcast_in_dim3A_714 = vector.shape_cast %reduce_min3A_713 : vector<512xi32> to vector<1x512xi32>
    %eq3A_715 = arith.constant 8192 : i32
    %eq3A_716 = vector.broadcast %eq3A_715 : i32 to vector<1x512xi32>
    %eq3A_717 = arith.cmpi eq, %broadcast_in_dim3A_714, %eq3A_716 : vector<1x512xi32>
    %select_n3A_718 = arith.select %eq3A_717, %broadcast_in_dim3A_75, %broadcast_in_dim3A_714 : vector<1x512xi1>, vector<1x512xi32>
    %shift_right_logical3A_719 = arith.constant 5 : i32
    %shift_right_logical3A_720 = vector.broadcast %shift_right_logical3A_719 : i32 to vector<1x512xi32>
    %shift_right_logical3A_721 = arith.shrui %broadcast_in_dim3A_714, %shift_right_logical3A_720 : vector<1x512xi32>
    %eq3A_722 = vector.broadcast %shift_right_logical3A_721 : vector<1x512xi32> to vector<256x512xi32>
    %eq3A_723 = arith.cmpi eq, %iota3A_56, %eq3A_722 : vector<256x512xi32>
    %and3A_724 = arith.constant 31 : i32
    %and3A_725 = vector.broadcast %and3A_724 : i32 to vector<1x512xi32>
    %and3A_726 = arith.andi %broadcast_in_dim3A_714, %and3A_725 : vector<1x512xi32>
    %shift_left3A_727 = arith.constant 1 : i32
    %shift_left3A_728 = vector.broadcast %shift_left3A_727 : i32 to vector<1x512xi32>
    %shift_left3A_729 = arith.shli %shift_left3A_728, %and3A_726 : vector<1x512xi32>
    %xor3A_730 = vector.broadcast %shift_left3A_729 : vector<1x512xi32> to vector<256x512xi32>
    %xor3A_731 = arith.xori %select_n3A_689, %xor3A_730 : vector<256x512xi32>
    %select_n3A_732 = arith.select %eq3A_723, %xor3A_731, %select_n3A_689 : vector<256x512xi1>, vector<256x512xi32>
    %neg3A_733 = arith.constant 0 : i32
    %neg3A_734 = vector.broadcast %neg3A_733 : i32 to vector<256x512xi32>
    %neg3A_735 = arith.subi %neg3A_734, %select_n3A_732 : vector<256x512xi32>
    %and3A_736 = arith.andi %select_n3A_732, %neg3A_735 : vector<256x512xi32>
    %convert_element_type3A_737 = arith.sitofp %and3A_736 : vector<256x512xi32> to vector<256x512xf32>
    %bitcast_convert_type3A_738 = tpu.bitcast %convert_element_type3A_737 : vector<256x512xf32> -> vector<256x512xi32>
    %shift_right_logical3A_739 = arith.constant 23 : i32
    %shift_right_logical3A_740 = vector.broadcast %shift_right_logical3A_739 : i32 to vector<256x512xi32>
    %shift_right_logical3A_741 = arith.shrui %bitcast_convert_type3A_738, %shift_right_logical3A_740 : vector<256x512xi32>
    %and3A_742 = arith.constant 255 : i32
    %and3A_743 = vector.broadcast %and3A_742 : i32 to vector<256x512xi32>
    %and3A_744 = arith.andi %shift_right_logical3A_741, %and3A_743 : vector<256x512xi32>
    %sub3A_745 = arith.constant 127 : i32
    %sub3A_746 = vector.broadcast %sub3A_745 : i32 to vector<256x512xi32>
    %sub3A_747 = arith.subi %and3A_744, %sub3A_746 : vector<256x512xi32>
    %ne3A_748 = arith.constant 0 : i32
    %ne3A_749 = vector.broadcast %ne3A_748 : i32 to vector<256x512xi32>
    %ne3A_750 = arith.cmpi ne, %select_n3A_732, %ne3A_749 : vector<256x512xi32>
    %add3A_751 = arith.addi %mul3A_55, %sub3A_747 : vector<256x512xi32>
    %jit3A_752 = arith.constant 8192 : i32
    %broadcast_in_dim3A_753 = vector.broadcast %jit3A_752 : i32 to vector<256x512xi32>
    %select_n3A_754 = arith.select %ne3A_750, %add3A_751, %broadcast_in_dim3A_753 : vector<256x512xi1>, vector<256x512xi32>
    %reduce_min3A_755 = arith.constant dense<2147483647> : vector<512xi32>
    %reduce_min3A_756 = vector.multi_reduction <minsi>, %select_n3A_754, %reduce_min3A_755 [0] : vector<256x512xi32> to vector<512xi32>
    %broadcast_in_dim3A_757 = vector.shape_cast %reduce_min3A_756 : vector<512xi32> to vector<1x512xi32>
    %eq3A_758 = arith.constant 8192 : i32
    %eq3A_759 = vector.broadcast %eq3A_758 : i32 to vector<1x512xi32>
    %eq3A_760 = arith.cmpi eq, %broadcast_in_dim3A_757, %eq3A_759 : vector<1x512xi32>
    %select_n3A_761 = arith.select %eq3A_760, %broadcast_in_dim3A_75, %broadcast_in_dim3A_757 : vector<1x512xi1>, vector<1x512xi32>
    %shift_right_logical3A_762 = arith.constant 5 : i32
    %shift_right_logical3A_763 = vector.broadcast %shift_right_logical3A_762 : i32 to vector<1x512xi32>
    %shift_right_logical3A_764 = arith.shrui %broadcast_in_dim3A_757, %shift_right_logical3A_763 : vector<1x512xi32>
    %eq3A_765 = vector.broadcast %shift_right_logical3A_764 : vector<1x512xi32> to vector<256x512xi32>
    %eq3A_766 = arith.cmpi eq, %iota3A_56, %eq3A_765 : vector<256x512xi32>
    %and3A_767 = arith.constant 31 : i32
    %and3A_768 = vector.broadcast %and3A_767 : i32 to vector<1x512xi32>
    %and3A_769 = arith.andi %broadcast_in_dim3A_757, %and3A_768 : vector<1x512xi32>
    %shift_left3A_770 = arith.constant 1 : i32
    %shift_left3A_771 = vector.broadcast %shift_left3A_770 : i32 to vector<1x512xi32>
    %shift_left3A_772 = arith.shli %shift_left3A_771, %and3A_769 : vector<1x512xi32>
    %xor3A_773 = vector.broadcast %shift_left3A_772 : vector<1x512xi32> to vector<256x512xi32>
    %xor3A_774 = arith.xori %select_n3A_732, %xor3A_773 : vector<256x512xi32>
    %select_n3A_775 = arith.select %eq3A_766, %xor3A_774, %select_n3A_732 : vector<256x512xi1>, vector<256x512xi32>
    %neg3A_776 = arith.constant 0 : i32
    %neg3A_777 = vector.broadcast %neg3A_776 : i32 to vector<256x512xi32>
    %neg3A_778 = arith.subi %neg3A_777, %select_n3A_775 : vector<256x512xi32>
    %and3A_779 = arith.andi %select_n3A_775, %neg3A_778 : vector<256x512xi32>
    %convert_element_type3A_780 = arith.sitofp %and3A_779 : vector<256x512xi32> to vector<256x512xf32>
    %bitcast_convert_type3A_781 = tpu.bitcast %convert_element_type3A_780 : vector<256x512xf32> -> vector<256x512xi32>
    %shift_right_logical3A_782 = arith.constant 23 : i32
    %shift_right_logical3A_783 = vector.broadcast %shift_right_logical3A_782 : i32 to vector<256x512xi32>
    %shift_right_logical3A_784 = arith.shrui %bitcast_convert_type3A_781, %shift_right_logical3A_783 : vector<256x512xi32>
    %and3A_785 = arith.constant 255 : i32
    %and3A_786 = vector.broadcast %and3A_785 : i32 to vector<256x512xi32>
    %and3A_787 = arith.andi %shift_right_logical3A_784, %and3A_786 : vector<256x512xi32>
    %sub3A_788 = arith.constant 127 : i32
    %sub3A_789 = vector.broadcast %sub3A_788 : i32 to vector<256x512xi32>
    %sub3A_790 = arith.subi %and3A_787, %sub3A_789 : vector<256x512xi32>
    %ne3A_791 = arith.constant 0 : i32
    %ne3A_792 = vector.broadcast %ne3A_791 : i32 to vector<256x512xi32>
    %ne3A_793 = arith.cmpi ne, %select_n3A_775, %ne3A_792 : vector<256x512xi32>
    %add3A_794 = arith.addi %mul3A_55, %sub3A_790 : vector<256x512xi32>
    %jit3A_795 = arith.constant 8192 : i32
    %broadcast_in_dim3A_796 = vector.broadcast %jit3A_795 : i32 to vector<256x512xi32>
    %select_n3A_797 = arith.select %ne3A_793, %add3A_794, %broadcast_in_dim3A_796 : vector<256x512xi1>, vector<256x512xi32>
    %reduce_min3A_798 = arith.constant dense<2147483647> : vector<512xi32>
    %reduce_min3A_799 = vector.multi_reduction <minsi>, %select_n3A_797, %reduce_min3A_798 [0] : vector<256x512xi32> to vector<512xi32>
    %broadcast_in_dim3A_800 = vector.shape_cast %reduce_min3A_799 : vector<512xi32> to vector<1x512xi32>
    %eq3A_801 = arith.constant 8192 : i32
    %eq3A_802 = vector.broadcast %eq3A_801 : i32 to vector<1x512xi32>
    %eq3A_803 = arith.cmpi eq, %broadcast_in_dim3A_800, %eq3A_802 : vector<1x512xi32>
    %select_n3A_804 = arith.select %eq3A_803, %broadcast_in_dim3A_75, %broadcast_in_dim3A_800 : vector<1x512xi1>, vector<1x512xi32>
    %shift_right_logical3A_805 = arith.constant 5 : i32
    %shift_right_logical3A_806 = vector.broadcast %shift_right_logical3A_805 : i32 to vector<1x512xi32>
    %shift_right_logical3A_807 = arith.shrui %broadcast_in_dim3A_800, %shift_right_logical3A_806 : vector<1x512xi32>
    %eq3A_808 = vector.broadcast %shift_right_logical3A_807 : vector<1x512xi32> to vector<256x512xi32>
    %eq3A_809 = arith.cmpi eq, %iota3A_56, %eq3A_808 : vector<256x512xi32>
    %and3A_810 = arith.constant 31 : i32
    %and3A_811 = vector.broadcast %and3A_810 : i32 to vector<1x512xi32>
    %and3A_812 = arith.andi %broadcast_in_dim3A_800, %and3A_811 : vector<1x512xi32>
    %shift_left3A_813 = arith.constant 1 : i32
    %shift_left3A_814 = vector.broadcast %shift_left3A_813 : i32 to vector<1x512xi32>
    %shift_left3A_815 = arith.shli %shift_left3A_814, %and3A_812 : vector<1x512xi32>
    %xor3A_816 = vector.broadcast %shift_left3A_815 : vector<1x512xi32> to vector<256x512xi32>
    %xor3A_817 = arith.xori %select_n3A_775, %xor3A_816 : vector<256x512xi32>
    %select_n3A_818 = arith.select %eq3A_809, %xor3A_817, %select_n3A_775 : vector<256x512xi1>, vector<256x512xi32>
    %neg3A_819 = arith.constant 0 : i32
    %neg3A_820 = vector.broadcast %neg3A_819 : i32 to vector<256x512xi32>
    %neg3A_821 = arith.subi %neg3A_820, %select_n3A_818 : vector<256x512xi32>
    %and3A_822 = arith.andi %select_n3A_818, %neg3A_821 : vector<256x512xi32>
    %convert_element_type3A_823 = arith.sitofp %and3A_822 : vector<256x512xi32> to vector<256x512xf32>
    %bitcast_convert_type3A_824 = tpu.bitcast %convert_element_type3A_823 : vector<256x512xf32> -> vector<256x512xi32>
    %shift_right_logical3A_825 = arith.constant 23 : i32
    %shift_right_logical3A_826 = vector.broadcast %shift_right_logical3A_825 : i32 to vector<256x512xi32>
    %shift_right_logical3A_827 = arith.shrui %bitcast_convert_type3A_824, %shift_right_logical3A_826 : vector<256x512xi32>
    %and3A_828 = arith.constant 255 : i32
    %and3A_829 = vector.broadcast %and3A_828 : i32 to vector<256x512xi32>
    %and3A_830 = arith.andi %shift_right_logical3A_827, %and3A_829 : vector<256x512xi32>
    %sub3A_831 = arith.constant 127 : i32
    %sub3A_832 = vector.broadcast %sub3A_831 : i32 to vector<256x512xi32>
    %sub3A_833 = arith.subi %and3A_830, %sub3A_832 : vector<256x512xi32>
    %ne3A_834 = arith.constant 0 : i32
    %ne3A_835 = vector.broadcast %ne3A_834 : i32 to vector<256x512xi32>
    %ne3A_836 = arith.cmpi ne, %select_n3A_818, %ne3A_835 : vector<256x512xi32>
    %add3A_837 = arith.addi %mul3A_55, %sub3A_833 : vector<256x512xi32>
    %jit3A_838 = arith.constant 8192 : i32
    %broadcast_in_dim3A_839 = vector.broadcast %jit3A_838 : i32 to vector<256x512xi32>
    %select_n3A_840 = arith.select %ne3A_836, %add3A_837, %broadcast_in_dim3A_839 : vector<256x512xi1>, vector<256x512xi32>
    %reduce_min3A_841 = arith.constant dense<2147483647> : vector<512xi32>
    %reduce_min3A_842 = vector.multi_reduction <minsi>, %select_n3A_840, %reduce_min3A_841 [0] : vector<256x512xi32> to vector<512xi32>
    %broadcast_in_dim3A_843 = vector.shape_cast %reduce_min3A_842 : vector<512xi32> to vector<1x512xi32>
    %eq3A_844 = arith.constant 8192 : i32
    %eq3A_845 = vector.broadcast %eq3A_844 : i32 to vector<1x512xi32>
    %eq3A_846 = arith.cmpi eq, %broadcast_in_dim3A_843, %eq3A_845 : vector<1x512xi32>
    %select_n3A_847 = arith.select %eq3A_846, %broadcast_in_dim3A_75, %broadcast_in_dim3A_843 : vector<1x512xi1>, vector<1x512xi32>
    %shift_right_logical3A_848 = arith.constant 5 : i32
    %shift_right_logical3A_849 = vector.broadcast %shift_right_logical3A_848 : i32 to vector<1x512xi32>
    %shift_right_logical3A_850 = arith.shrui %broadcast_in_dim3A_843, %shift_right_logical3A_849 : vector<1x512xi32>
    %eq3A_851 = vector.broadcast %shift_right_logical3A_850 : vector<1x512xi32> to vector<256x512xi32>
    %eq3A_852 = arith.cmpi eq, %iota3A_56, %eq3A_851 : vector<256x512xi32>
    %and3A_853 = arith.constant 31 : i32
    %and3A_854 = vector.broadcast %and3A_853 : i32 to vector<1x512xi32>
    %and3A_855 = arith.andi %broadcast_in_dim3A_843, %and3A_854 : vector<1x512xi32>
    %shift_left3A_856 = arith.constant 1 : i32
    %shift_left3A_857 = vector.broadcast %shift_left3A_856 : i32 to vector<1x512xi32>
    %shift_left3A_858 = arith.shli %shift_left3A_857, %and3A_855 : vector<1x512xi32>
    %xor3A_859 = vector.broadcast %shift_left3A_858 : vector<1x512xi32> to vector<256x512xi32>
    %xor3A_860 = arith.xori %select_n3A_818, %xor3A_859 : vector<256x512xi32>
    %select_n3A_861 = arith.select %eq3A_852, %xor3A_860, %select_n3A_818 : vector<256x512xi1>, vector<256x512xi32>
    %neg3A_862 = arith.constant 0 : i32
    %neg3A_863 = vector.broadcast %neg3A_862 : i32 to vector<256x512xi32>
    %neg3A_864 = arith.subi %neg3A_863, %select_n3A_861 : vector<256x512xi32>
    %and3A_865 = arith.andi %select_n3A_861, %neg3A_864 : vector<256x512xi32>
    %convert_element_type3A_866 = arith.sitofp %and3A_865 : vector<256x512xi32> to vector<256x512xf32>
    %bitcast_convert_type3A_867 = tpu.bitcast %convert_element_type3A_866 : vector<256x512xf32> -> vector<256x512xi32>
    %shift_right_logical3A_868 = arith.constant 23 : i32
    %shift_right_logical3A_869 = vector.broadcast %shift_right_logical3A_868 : i32 to vector<256x512xi32>
    %shift_right_logical3A_870 = arith.shrui %bitcast_convert_type3A_867, %shift_right_logical3A_869 : vector<256x512xi32>
    %and3A_871 = arith.constant 255 : i32
    %and3A_872 = vector.broadcast %and3A_871 : i32 to vector<256x512xi32>
    %and3A_873 = arith.andi %shift_right_logical3A_870, %and3A_872 : vector<256x512xi32>
    %sub3A_874 = arith.constant 127 : i32
    %sub3A_875 = vector.broadcast %sub3A_874 : i32 to vector<256x512xi32>
    %sub3A_876 = arith.subi %and3A_873, %sub3A_875 : vector<256x512xi32>
    %ne3A_877 = arith.constant 0 : i32
    %ne3A_878 = vector.broadcast %ne3A_877 : i32 to vector<256x512xi32>
    %ne3A_879 = arith.cmpi ne, %select_n3A_861, %ne3A_878 : vector<256x512xi32>
    %add3A_880 = arith.addi %mul3A_55, %sub3A_876 : vector<256x512xi32>
    %jit3A_881 = arith.constant 8192 : i32
    %broadcast_in_dim3A_882 = vector.broadcast %jit3A_881 : i32 to vector<256x512xi32>
    %select_n3A_883 = arith.select %ne3A_879, %add3A_880, %broadcast_in_dim3A_882 : vector<256x512xi1>, vector<256x512xi32>
    %reduce_min3A_884 = arith.constant dense<2147483647> : vector<512xi32>
    %reduce_min3A_885 = vector.multi_reduction <minsi>, %select_n3A_883, %reduce_min3A_884 [0] : vector<256x512xi32> to vector<512xi32>
    %broadcast_in_dim3A_886 = vector.shape_cast %reduce_min3A_885 : vector<512xi32> to vector<1x512xi32>
    %eq3A_887 = arith.constant 8192 : i32
    %eq3A_888 = vector.broadcast %eq3A_887 : i32 to vector<1x512xi32>
    %eq3A_889 = arith.cmpi eq, %broadcast_in_dim3A_886, %eq3A_888 : vector<1x512xi32>
    %select_n3A_890 = arith.select %eq3A_889, %broadcast_in_dim3A_75, %broadcast_in_dim3A_886 : vector<1x512xi1>, vector<1x512xi32>
    %shift_right_logical3A_891 = arith.constant 5 : i32
    %shift_right_logical3A_892 = vector.broadcast %shift_right_logical3A_891 : i32 to vector<1x512xi32>
    %shift_right_logical3A_893 = arith.shrui %broadcast_in_dim3A_886, %shift_right_logical3A_892 : vector<1x512xi32>
    %eq3A_894 = vector.broadcast %shift_right_logical3A_893 : vector<1x512xi32> to vector<256x512xi32>
    %eq3A_895 = arith.cmpi eq, %iota3A_56, %eq3A_894 : vector<256x512xi32>
    %and3A_896 = arith.constant 31 : i32
    %and3A_897 = vector.broadcast %and3A_896 : i32 to vector<1x512xi32>
    %and3A_898 = arith.andi %broadcast_in_dim3A_886, %and3A_897 : vector<1x512xi32>
    %shift_left3A_899 = arith.constant 1 : i32
    %shift_left3A_900 = vector.broadcast %shift_left3A_899 : i32 to vector<1x512xi32>
    %shift_left3A_901 = arith.shli %shift_left3A_900, %and3A_898 : vector<1x512xi32>
    %xor3A_902 = vector.broadcast %shift_left3A_901 : vector<1x512xi32> to vector<256x512xi32>
    %xor3A_903 = arith.xori %select_n3A_861, %xor3A_902 : vector<256x512xi32>
    %select_n3A_904 = arith.select %eq3A_895, %xor3A_903, %select_n3A_861 : vector<256x512xi1>, vector<256x512xi32>
    %neg3A_905 = arith.constant 0 : i32
    %neg3A_906 = vector.broadcast %neg3A_905 : i32 to vector<256x512xi32>
    %neg3A_907 = arith.subi %neg3A_906, %select_n3A_904 : vector<256x512xi32>
    %and3A_908 = arith.andi %select_n3A_904, %neg3A_907 : vector<256x512xi32>
    %convert_element_type3A_909 = arith.sitofp %and3A_908 : vector<256x512xi32> to vector<256x512xf32>
    %bitcast_convert_type3A_910 = tpu.bitcast %convert_element_type3A_909 : vector<256x512xf32> -> vector<256x512xi32>
    %shift_right_logical3A_911 = arith.constant 23 : i32
    %shift_right_logical3A_912 = vector.broadcast %shift_right_logical3A_911 : i32 to vector<256x512xi32>
    %shift_right_logical3A_913 = arith.shrui %bitcast_convert_type3A_910, %shift_right_logical3A_912 : vector<256x512xi32>
    %and3A_914 = arith.constant 255 : i32
    %and3A_915 = vector.broadcast %and3A_914 : i32 to vector<256x512xi32>
    %and3A_916 = arith.andi %shift_right_logical3A_913, %and3A_915 : vector<256x512xi32>
    %sub3A_917 = arith.constant 127 : i32
    %sub3A_918 = vector.broadcast %sub3A_917 : i32 to vector<256x512xi32>
    %sub3A_919 = arith.subi %and3A_916, %sub3A_918 : vector<256x512xi32>
    %ne3A_920 = arith.constant 0 : i32
    %ne3A_921 = vector.broadcast %ne3A_920 : i32 to vector<256x512xi32>
    %ne3A_922 = arith.cmpi ne, %select_n3A_904, %ne3A_921 : vector<256x512xi32>
    %add3A_923 = arith.addi %mul3A_55, %sub3A_919 : vector<256x512xi32>
    %jit3A_924 = arith.constant 8192 : i32
    %broadcast_in_dim3A_925 = vector.broadcast %jit3A_924 : i32 to vector<256x512xi32>
    %select_n3A_926 = arith.select %ne3A_922, %add3A_923, %broadcast_in_dim3A_925 : vector<256x512xi1>, vector<256x512xi32>
    %reduce_min3A_927 = arith.constant dense<2147483647> : vector<512xi32>
    %reduce_min3A_928 = vector.multi_reduction <minsi>, %select_n3A_926, %reduce_min3A_927 [0] : vector<256x512xi32> to vector<512xi32>
    %broadcast_in_dim3A_929 = vector.shape_cast %reduce_min3A_928 : vector<512xi32> to vector<1x512xi32>
    %eq3A_930 = arith.constant 8192 : i32
    %eq3A_931 = vector.broadcast %eq3A_930 : i32 to vector<1x512xi32>
    %eq3A_932 = arith.cmpi eq, %broadcast_in_dim3A_929, %eq3A_931 : vector<1x512xi32>
    %select_n3A_933 = arith.select %eq3A_932, %broadcast_in_dim3A_75, %broadcast_in_dim3A_929 : vector<1x512xi1>, vector<1x512xi32>
    %shift_right_logical3A_934 = arith.constant 5 : i32
    %shift_right_logical3A_935 = vector.broadcast %shift_right_logical3A_934 : i32 to vector<1x512xi32>
    %shift_right_logical3A_936 = arith.shrui %broadcast_in_dim3A_929, %shift_right_logical3A_935 : vector<1x512xi32>
    %eq3A_937 = vector.broadcast %shift_right_logical3A_936 : vector<1x512xi32> to vector<256x512xi32>
    %eq3A_938 = arith.cmpi eq, %iota3A_56, %eq3A_937 : vector<256x512xi32>
    %and3A_939 = arith.constant 31 : i32
    %and3A_940 = vector.broadcast %and3A_939 : i32 to vector<1x512xi32>
    %and3A_941 = arith.andi %broadcast_in_dim3A_929, %and3A_940 : vector<1x512xi32>
    %shift_left3A_942 = arith.constant 1 : i32
    %shift_left3A_943 = vector.broadcast %shift_left3A_942 : i32 to vector<1x512xi32>
    %shift_left3A_944 = arith.shli %shift_left3A_943, %and3A_941 : vector<1x512xi32>
    %xor3A_945 = vector.broadcast %shift_left3A_944 : vector<1x512xi32> to vector<256x512xi32>
    %xor3A_946 = arith.xori %select_n3A_904, %xor3A_945 : vector<256x512xi32>
    %select_n3A_947 = arith.select %eq3A_938, %xor3A_946, %select_n3A_904 : vector<256x512xi1>, vector<256x512xi32>
    %neg3A_948 = arith.constant 0 : i32
    %neg3A_949 = vector.broadcast %neg3A_948 : i32 to vector<256x512xi32>
    %neg3A_950 = arith.subi %neg3A_949, %select_n3A_947 : vector<256x512xi32>
    %and3A_951 = arith.andi %select_n3A_947, %neg3A_950 : vector<256x512xi32>
    %convert_element_type3A_952 = arith.sitofp %and3A_951 : vector<256x512xi32> to vector<256x512xf32>
    %bitcast_convert_type3A_953 = tpu.bitcast %convert_element_type3A_952 : vector<256x512xf32> -> vector<256x512xi32>
    %shift_right_logical3A_954 = arith.constant 23 : i32
    %shift_right_logical3A_955 = vector.broadcast %shift_right_logical3A_954 : i32 to vector<256x512xi32>
    %shift_right_logical3A_956 = arith.shrui %bitcast_convert_type3A_953, %shift_right_logical3A_955 : vector<256x512xi32>
    %and3A_957 = arith.constant 255 : i32
    %and3A_958 = vector.broadcast %and3A_957 : i32 to vector<256x512xi32>
    %and3A_959 = arith.andi %shift_right_logical3A_956, %and3A_958 : vector<256x512xi32>
    %sub3A_960 = arith.constant 127 : i32
    %sub3A_961 = vector.broadcast %sub3A_960 : i32 to vector<256x512xi32>
    %sub3A_962 = arith.subi %and3A_959, %sub3A_961 : vector<256x512xi32>
    %ne3A_963 = arith.constant 0 : i32
    %ne3A_964 = vector.broadcast %ne3A_963 : i32 to vector<256x512xi32>
    %ne3A_965 = arith.cmpi ne, %select_n3A_947, %ne3A_964 : vector<256x512xi32>
    %add3A_966 = arith.addi %mul3A_55, %sub3A_962 : vector<256x512xi32>
    %jit3A_967 = arith.constant 8192 : i32
    %broadcast_in_dim3A_968 = vector.broadcast %jit3A_967 : i32 to vector<256x512xi32>
    %select_n3A_969 = arith.select %ne3A_965, %add3A_966, %broadcast_in_dim3A_968 : vector<256x512xi1>, vector<256x512xi32>
    %reduce_min3A_970 = arith.constant dense<2147483647> : vector<512xi32>
    %reduce_min3A_971 = vector.multi_reduction <minsi>, %select_n3A_969, %reduce_min3A_970 [0] : vector<256x512xi32> to vector<512xi32>
    %broadcast_in_dim3A_972 = vector.shape_cast %reduce_min3A_971 : vector<512xi32> to vector<1x512xi32>
    %eq3A_973 = arith.constant 8192 : i32
    %eq3A_974 = vector.broadcast %eq3A_973 : i32 to vector<1x512xi32>
    %eq3A_975 = arith.cmpi eq, %broadcast_in_dim3A_972, %eq3A_974 : vector<1x512xi32>
    %select_n3A_976 = arith.select %eq3A_975, %broadcast_in_dim3A_75, %broadcast_in_dim3A_972 : vector<1x512xi1>, vector<1x512xi32>
    %shift_right_logical3A_977 = arith.constant 5 : i32
    %shift_right_logical3A_978 = vector.broadcast %shift_right_logical3A_977 : i32 to vector<1x512xi32>
    %shift_right_logical3A_979 = arith.shrui %broadcast_in_dim3A_972, %shift_right_logical3A_978 : vector<1x512xi32>
    %eq3A_980 = vector.broadcast %shift_right_logical3A_979 : vector<1x512xi32> to vector<256x512xi32>
    %eq3A_981 = arith.cmpi eq, %iota3A_56, %eq3A_980 : vector<256x512xi32>
    %and3A_982 = arith.constant 31 : i32
    %and3A_983 = vector.broadcast %and3A_982 : i32 to vector<1x512xi32>
    %and3A_984 = arith.andi %broadcast_in_dim3A_972, %and3A_983 : vector<1x512xi32>
    %shift_left3A_985 = arith.constant 1 : i32
    %shift_left3A_986 = vector.broadcast %shift_left3A_985 : i32 to vector<1x512xi32>
    %shift_left3A_987 = arith.shli %shift_left3A_986, %and3A_984 : vector<1x512xi32>
    %xor3A_988 = vector.broadcast %shift_left3A_987 : vector<1x512xi32> to vector<256x512xi32>
    %xor3A_989 = arith.xori %select_n3A_947, %xor3A_988 : vector<256x512xi32>
    %select_n3A_990 = arith.select %eq3A_981, %xor3A_989, %select_n3A_947 : vector<256x512xi1>, vector<256x512xi32>
    %neg3A_991 = arith.constant 0 : i32
    %neg3A_992 = vector.broadcast %neg3A_991 : i32 to vector<256x512xi32>
    %neg3A_993 = arith.subi %neg3A_992, %select_n3A_990 : vector<256x512xi32>
    %and3A_994 = arith.andi %select_n3A_990, %neg3A_993 : vector<256x512xi32>
    %convert_element_type3A_995 = arith.sitofp %and3A_994 : vector<256x512xi32> to vector<256x512xf32>
    %bitcast_convert_type3A_996 = tpu.bitcast %convert_element_type3A_995 : vector<256x512xf32> -> vector<256x512xi32>
    %shift_right_logical3A_997 = arith.constant 23 : i32
    %shift_right_logical3A_998 = vector.broadcast %shift_right_logical3A_997 : i32 to vector<256x512xi32>
    %shift_right_logical3A_999 = arith.shrui %bitcast_convert_type3A_996, %shift_right_logical3A_998 : vector<256x512xi32>
    %and3A_1000 = arith.constant 255 : i32
    %and3A_1001 = vector.broadcast %and3A_1000 : i32 to vector<256x512xi32>
    %and3A_1002 = arith.andi %shift_right_logical3A_999, %and3A_1001 : vector<256x512xi32>
    %sub3A_1003 = arith.constant 127 : i32
    %sub3A_1004 = vector.broadcast %sub3A_1003 : i32 to vector<256x512xi32>
    %sub3A_1005 = arith.subi %and3A_1002, %sub3A_1004 : vector<256x512xi32>
    %ne3A_1006 = arith.constant 0 : i32
    %ne3A_1007 = vector.broadcast %ne3A_1006 : i32 to vector<256x512xi32>
    %ne3A_1008 = arith.cmpi ne, %select_n3A_990, %ne3A_1007 : vector<256x512xi32>
    %add3A_1009 = arith.addi %mul3A_55, %sub3A_1005 : vector<256x512xi32>
    %jit3A_1010 = arith.constant 8192 : i32
    %broadcast_in_dim3A_1011 = vector.broadcast %jit3A_1010 : i32 to vector<256x512xi32>
    %select_n3A_1012 = arith.select %ne3A_1008, %add3A_1009, %broadcast_in_dim3A_1011 : vector<256x512xi1>, vector<256x512xi32>
    %reduce_min3A_1013 = arith.constant dense<2147483647> : vector<512xi32>
    %reduce_min3A_1014 = vector.multi_reduction <minsi>, %select_n3A_1012, %reduce_min3A_1013 [0] : vector<256x512xi32> to vector<512xi32>
    %broadcast_in_dim3A_1015 = vector.shape_cast %reduce_min3A_1014 : vector<512xi32> to vector<1x512xi32>
    %eq3A_1016 = arith.constant 8192 : i32
    %eq3A_1017 = vector.broadcast %eq3A_1016 : i32 to vector<1x512xi32>
    %eq3A_1018 = arith.cmpi eq, %broadcast_in_dim3A_1015, %eq3A_1017 : vector<1x512xi32>
    %select_n3A_1019 = arith.select %eq3A_1018, %broadcast_in_dim3A_75, %broadcast_in_dim3A_1015 : vector<1x512xi1>, vector<1x512xi32>
    %shift_right_logical3A_1020 = arith.constant 5 : i32
    %shift_right_logical3A_1021 = vector.broadcast %shift_right_logical3A_1020 : i32 to vector<1x512xi32>
    %shift_right_logical3A_1022 = arith.shrui %broadcast_in_dim3A_1015, %shift_right_logical3A_1021 : vector<1x512xi32>
    %eq3A_1023 = vector.broadcast %shift_right_logical3A_1022 : vector<1x512xi32> to vector<256x512xi32>
    %eq3A_1024 = arith.cmpi eq, %iota3A_56, %eq3A_1023 : vector<256x512xi32>
    %and3A_1025 = arith.constant 31 : i32
    %and3A_1026 = vector.broadcast %and3A_1025 : i32 to vector<1x512xi32>
    %and3A_1027 = arith.andi %broadcast_in_dim3A_1015, %and3A_1026 : vector<1x512xi32>
    %shift_left3A_1028 = arith.constant 1 : i32
    %shift_left3A_1029 = vector.broadcast %shift_left3A_1028 : i32 to vector<1x512xi32>
    %shift_left3A_1030 = arith.shli %shift_left3A_1029, %and3A_1027 : vector<1x512xi32>
    %xor3A_1031 = vector.broadcast %shift_left3A_1030 : vector<1x512xi32> to vector<256x512xi32>
    %xor3A_1032 = arith.xori %select_n3A_990, %xor3A_1031 : vector<256x512xi32>
    %select_n3A_1033 = arith.select %eq3A_1024, %xor3A_1032, %select_n3A_990 : vector<256x512xi1>, vector<256x512xi32>
    %neg3A_1034 = arith.constant 0 : i32
    %neg3A_1035 = vector.broadcast %neg3A_1034 : i32 to vector<256x512xi32>
    %neg3A_1036 = arith.subi %neg3A_1035, %select_n3A_1033 : vector<256x512xi32>
    %and3A_1037 = arith.andi %select_n3A_1033, %neg3A_1036 : vector<256x512xi32>
    %convert_element_type3A_1038 = arith.sitofp %and3A_1037 : vector<256x512xi32> to vector<256x512xf32>
    %bitcast_convert_type3A_1039 = tpu.bitcast %convert_element_type3A_1038 : vector<256x512xf32> -> vector<256x512xi32>
    %shift_right_logical3A_1040 = arith.constant 23 : i32
    %shift_right_logical3A_1041 = vector.broadcast %shift_right_logical3A_1040 : i32 to vector<256x512xi32>
    %shift_right_logical3A_1042 = arith.shrui %bitcast_convert_type3A_1039, %shift_right_logical3A_1041 : vector<256x512xi32>
    %and3A_1043 = arith.constant 255 : i32
    %and3A_1044 = vector.broadcast %and3A_1043 : i32 to vector<256x512xi32>
    %and3A_1045 = arith.andi %shift_right_logical3A_1042, %and3A_1044 : vector<256x512xi32>
    %sub3A_1046 = arith.constant 127 : i32
    %sub3A_1047 = vector.broadcast %sub3A_1046 : i32 to vector<256x512xi32>
    %sub3A_1048 = arith.subi %and3A_1045, %sub3A_1047 : vector<256x512xi32>
    %ne3A_1049 = arith.constant 0 : i32
    %ne3A_1050 = vector.broadcast %ne3A_1049 : i32 to vector<256x512xi32>
    %ne3A_1051 = arith.cmpi ne, %select_n3A_1033, %ne3A_1050 : vector<256x512xi32>
    %add3A_1052 = arith.addi %mul3A_55, %sub3A_1048 : vector<256x512xi32>
    %jit3A_1053 = arith.constant 8192 : i32
    %broadcast_in_dim3A_1054 = vector.broadcast %jit3A_1053 : i32 to vector<256x512xi32>
    %select_n3A_1055 = arith.select %ne3A_1051, %add3A_1052, %broadcast_in_dim3A_1054 : vector<256x512xi1>, vector<256x512xi32>
    %reduce_min3A_1056 = arith.constant dense<2147483647> : vector<512xi32>
    %reduce_min3A_1057 = vector.multi_reduction <minsi>, %select_n3A_1055, %reduce_min3A_1056 [0] : vector<256x512xi32> to vector<512xi32>
    %broadcast_in_dim3A_1058 = vector.shape_cast %reduce_min3A_1057 : vector<512xi32> to vector<1x512xi32>
    %eq3A_1059 = arith.constant 8192 : i32
    %eq3A_1060 = vector.broadcast %eq3A_1059 : i32 to vector<1x512xi32>
    %eq3A_1061 = arith.cmpi eq, %broadcast_in_dim3A_1058, %eq3A_1060 : vector<1x512xi32>
    %select_n3A_1062 = arith.select %eq3A_1061, %broadcast_in_dim3A_75, %broadcast_in_dim3A_1058 : vector<1x512xi1>, vector<1x512xi32>
    %shift_right_logical3A_1063 = arith.constant 5 : i32
    %shift_right_logical3A_1064 = vector.broadcast %shift_right_logical3A_1063 : i32 to vector<1x512xi32>
    %shift_right_logical3A_1065 = arith.shrui %broadcast_in_dim3A_1058, %shift_right_logical3A_1064 : vector<1x512xi32>
    %eq3A_1066 = vector.broadcast %shift_right_logical3A_1065 : vector<1x512xi32> to vector<256x512xi32>
    %eq3A_1067 = arith.cmpi eq, %iota3A_56, %eq3A_1066 : vector<256x512xi32>
    %and3A_1068 = arith.constant 31 : i32
    %and3A_1069 = vector.broadcast %and3A_1068 : i32 to vector<1x512xi32>
    %and3A_1070 = arith.andi %broadcast_in_dim3A_1058, %and3A_1069 : vector<1x512xi32>
    %shift_left3A_1071 = arith.constant 1 : i32
    %shift_left3A_1072 = vector.broadcast %shift_left3A_1071 : i32 to vector<1x512xi32>
    %shift_left3A_1073 = arith.shli %shift_left3A_1072, %and3A_1070 : vector<1x512xi32>
    %xor3A_1074 = vector.broadcast %shift_left3A_1073 : vector<1x512xi32> to vector<256x512xi32>
    %xor3A_1075 = arith.xori %select_n3A_1033, %xor3A_1074 : vector<256x512xi32>
    %select_n3A_1076 = arith.select %eq3A_1067, %xor3A_1075, %select_n3A_1033 : vector<256x512xi1>, vector<256x512xi32>
    %neg3A_1077 = arith.constant 0 : i32
    %neg3A_1078 = vector.broadcast %neg3A_1077 : i32 to vector<256x512xi32>
    %neg3A_1079 = arith.subi %neg3A_1078, %select_n3A_1076 : vector<256x512xi32>
    %and3A_1080 = arith.andi %select_n3A_1076, %neg3A_1079 : vector<256x512xi32>
    %convert_element_type3A_1081 = arith.sitofp %and3A_1080 : vector<256x512xi32> to vector<256x512xf32>
    %bitcast_convert_type3A_1082 = tpu.bitcast %convert_element_type3A_1081 : vector<256x512xf32> -> vector<256x512xi32>
    %shift_right_logical3A_1083 = arith.constant 23 : i32
    %shift_right_logical3A_1084 = vector.broadcast %shift_right_logical3A_1083 : i32 to vector<256x512xi32>
    %shift_right_logical3A_1085 = arith.shrui %bitcast_convert_type3A_1082, %shift_right_logical3A_1084 : vector<256x512xi32>
    %and3A_1086 = arith.constant 255 : i32
    %and3A_1087 = vector.broadcast %and3A_1086 : i32 to vector<256x512xi32>
    %and3A_1088 = arith.andi %shift_right_logical3A_1085, %and3A_1087 : vector<256x512xi32>
    %sub3A_1089 = arith.constant 127 : i32
    %sub3A_1090 = vector.broadcast %sub3A_1089 : i32 to vector<256x512xi32>
    %sub3A_1091 = arith.subi %and3A_1088, %sub3A_1090 : vector<256x512xi32>
    %ne3A_1092 = arith.constant 0 : i32
    %ne3A_1093 = vector.broadcast %ne3A_1092 : i32 to vector<256x512xi32>
    %ne3A_1094 = arith.cmpi ne, %select_n3A_1076, %ne3A_1093 : vector<256x512xi32>
    %add3A_1095 = arith.addi %mul3A_55, %sub3A_1091 : vector<256x512xi32>
    %jit3A_1096 = arith.constant 8192 : i32
    %broadcast_in_dim3A_1097 = vector.broadcast %jit3A_1096 : i32 to vector<256x512xi32>
    %select_n3A_1098 = arith.select %ne3A_1094, %add3A_1095, %broadcast_in_dim3A_1097 : vector<256x512xi1>, vector<256x512xi32>
    %reduce_min3A_1099 = arith.constant dense<2147483647> : vector<512xi32>
    %reduce_min3A_1100 = vector.multi_reduction <minsi>, %select_n3A_1098, %reduce_min3A_1099 [0] : vector<256x512xi32> to vector<512xi32>
    %broadcast_in_dim3A_1101 = vector.shape_cast %reduce_min3A_1100 : vector<512xi32> to vector<1x512xi32>
    %eq3A_1102 = arith.constant 8192 : i32
    %eq3A_1103 = vector.broadcast %eq3A_1102 : i32 to vector<1x512xi32>
    %eq3A_1104 = arith.cmpi eq, %broadcast_in_dim3A_1101, %eq3A_1103 : vector<1x512xi32>
    %select_n3A_1105 = arith.select %eq3A_1104, %broadcast_in_dim3A_75, %broadcast_in_dim3A_1101 : vector<1x512xi1>, vector<1x512xi32>
    %shift_right_logical3A_1106 = arith.constant 5 : i32
    %shift_right_logical3A_1107 = vector.broadcast %shift_right_logical3A_1106 : i32 to vector<1x512xi32>
    %shift_right_logical3A_1108 = arith.shrui %broadcast_in_dim3A_1101, %shift_right_logical3A_1107 : vector<1x512xi32>
    %eq3A_1109 = vector.broadcast %shift_right_logical3A_1108 : vector<1x512xi32> to vector<256x512xi32>
    %eq3A_1110 = arith.cmpi eq, %iota3A_56, %eq3A_1109 : vector<256x512xi32>
    %and3A_1111 = arith.constant 31 : i32
    %and3A_1112 = vector.broadcast %and3A_1111 : i32 to vector<1x512xi32>
    %and3A_1113 = arith.andi %broadcast_in_dim3A_1101, %and3A_1112 : vector<1x512xi32>
    %shift_left3A_1114 = arith.constant 1 : i32
    %shift_left3A_1115 = vector.broadcast %shift_left3A_1114 : i32 to vector<1x512xi32>
    %shift_left3A_1116 = arith.shli %shift_left3A_1115, %and3A_1113 : vector<1x512xi32>
    %xor3A_1117 = vector.broadcast %shift_left3A_1116 : vector<1x512xi32> to vector<256x512xi32>
    %xor3A_1118 = arith.xori %select_n3A_1076, %xor3A_1117 : vector<256x512xi32>
    %select_n3A_1119 = arith.select %eq3A_1110, %xor3A_1118, %select_n3A_1076 : vector<256x512xi1>, vector<256x512xi32>
    %neg3A_1120 = arith.constant 0 : i32
    %neg3A_1121 = vector.broadcast %neg3A_1120 : i32 to vector<256x512xi32>
    %neg3A_1122 = arith.subi %neg3A_1121, %select_n3A_1119 : vector<256x512xi32>
    %and3A_1123 = arith.andi %select_n3A_1119, %neg3A_1122 : vector<256x512xi32>
    %convert_element_type3A_1124 = arith.sitofp %and3A_1123 : vector<256x512xi32> to vector<256x512xf32>
    %bitcast_convert_type3A_1125 = tpu.bitcast %convert_element_type3A_1124 : vector<256x512xf32> -> vector<256x512xi32>
    %shift_right_logical3A_1126 = arith.constant 23 : i32
    %shift_right_logical3A_1127 = vector.broadcast %shift_right_logical3A_1126 : i32 to vector<256x512xi32>
    %shift_right_logical3A_1128 = arith.shrui %bitcast_convert_type3A_1125, %shift_right_logical3A_1127 : vector<256x512xi32>
    %and3A_1129 = arith.constant 255 : i32
    %and3A_1130 = vector.broadcast %and3A_1129 : i32 to vector<256x512xi32>
    %and3A_1131 = arith.andi %shift_right_logical3A_1128, %and3A_1130 : vector<256x512xi32>
    %sub3A_1132 = arith.constant 127 : i32
    %sub3A_1133 = vector.broadcast %sub3A_1132 : i32 to vector<256x512xi32>
    %sub3A_1134 = arith.subi %and3A_1131, %sub3A_1133 : vector<256x512xi32>
    %ne3A_1135 = arith.constant 0 : i32
    %ne3A_1136 = vector.broadcast %ne3A_1135 : i32 to vector<256x512xi32>
    %ne3A_1137 = arith.cmpi ne, %select_n3A_1119, %ne3A_1136 : vector<256x512xi32>
    %add3A_1138 = arith.addi %mul3A_55, %sub3A_1134 : vector<256x512xi32>
    %jit3A_1139 = arith.constant 8192 : i32
    %broadcast_in_dim3A_1140 = vector.broadcast %jit3A_1139 : i32 to vector<256x512xi32>
    %select_n3A_1141 = arith.select %ne3A_1137, %add3A_1138, %broadcast_in_dim3A_1140 : vector<256x512xi1>, vector<256x512xi32>
    %reduce_min3A_1142 = arith.constant dense<2147483647> : vector<512xi32>
    %reduce_min3A_1143 = vector.multi_reduction <minsi>, %select_n3A_1141, %reduce_min3A_1142 [0] : vector<256x512xi32> to vector<512xi32>
    %broadcast_in_dim3A_1144 = vector.shape_cast %reduce_min3A_1143 : vector<512xi32> to vector<1x512xi32>
    %eq3A_1145 = arith.constant 8192 : i32
    %eq3A_1146 = vector.broadcast %eq3A_1145 : i32 to vector<1x512xi32>
    %eq3A_1147 = arith.cmpi eq, %broadcast_in_dim3A_1144, %eq3A_1146 : vector<1x512xi32>
    %select_n3A_1148 = arith.select %eq3A_1147, %broadcast_in_dim3A_75, %broadcast_in_dim3A_1144 : vector<1x512xi1>, vector<1x512xi32>
    %shift_right_logical3A_1149 = arith.constant 5 : i32
    %shift_right_logical3A_1150 = vector.broadcast %shift_right_logical3A_1149 : i32 to vector<1x512xi32>
    %shift_right_logical3A_1151 = arith.shrui %broadcast_in_dim3A_1144, %shift_right_logical3A_1150 : vector<1x512xi32>
    %eq3A_1152 = vector.broadcast %shift_right_logical3A_1151 : vector<1x512xi32> to vector<256x512xi32>
    %eq3A_1153 = arith.cmpi eq, %iota3A_56, %eq3A_1152 : vector<256x512xi32>
    %and3A_1154 = arith.constant 31 : i32
    %and3A_1155 = vector.broadcast %and3A_1154 : i32 to vector<1x512xi32>
    %and3A_1156 = arith.andi %broadcast_in_dim3A_1144, %and3A_1155 : vector<1x512xi32>
    %shift_left3A_1157 = arith.constant 1 : i32
    %shift_left3A_1158 = vector.broadcast %shift_left3A_1157 : i32 to vector<1x512xi32>
    %shift_left3A_1159 = arith.shli %shift_left3A_1158, %and3A_1156 : vector<1x512xi32>
    %xor3A_1160 = vector.broadcast %shift_left3A_1159 : vector<1x512xi32> to vector<256x512xi32>
    %xor3A_1161 = arith.xori %select_n3A_1119, %xor3A_1160 : vector<256x512xi32>
    %select_n3A_1162 = arith.select %eq3A_1153, %xor3A_1161, %select_n3A_1119 : vector<256x512xi1>, vector<256x512xi32>
    %neg3A_1163 = arith.constant 0 : i32
    %neg3A_1164 = vector.broadcast %neg3A_1163 : i32 to vector<256x512xi32>
    %neg3A_1165 = arith.subi %neg3A_1164, %select_n3A_1162 : vector<256x512xi32>
    %and3A_1166 = arith.andi %select_n3A_1162, %neg3A_1165 : vector<256x512xi32>
    %convert_element_type3A_1167 = arith.sitofp %and3A_1166 : vector<256x512xi32> to vector<256x512xf32>
    %bitcast_convert_type3A_1168 = tpu.bitcast %convert_element_type3A_1167 : vector<256x512xf32> -> vector<256x512xi32>
    %shift_right_logical3A_1169 = arith.constant 23 : i32
    %shift_right_logical3A_1170 = vector.broadcast %shift_right_logical3A_1169 : i32 to vector<256x512xi32>
    %shift_right_logical3A_1171 = arith.shrui %bitcast_convert_type3A_1168, %shift_right_logical3A_1170 : vector<256x512xi32>
    %and3A_1172 = arith.constant 255 : i32
    %and3A_1173 = vector.broadcast %and3A_1172 : i32 to vector<256x512xi32>
    %and3A_1174 = arith.andi %shift_right_logical3A_1171, %and3A_1173 : vector<256x512xi32>
    %sub3A_1175 = arith.constant 127 : i32
    %sub3A_1176 = vector.broadcast %sub3A_1175 : i32 to vector<256x512xi32>
    %sub3A_1177 = arith.subi %and3A_1174, %sub3A_1176 : vector<256x512xi32>
    %ne3A_1178 = arith.constant 0 : i32
    %ne3A_1179 = vector.broadcast %ne3A_1178 : i32 to vector<256x512xi32>
    %ne3A_1180 = arith.cmpi ne, %select_n3A_1162, %ne3A_1179 : vector<256x512xi32>
    %add3A_1181 = arith.addi %mul3A_55, %sub3A_1177 : vector<256x512xi32>
    %jit3A_1182 = arith.constant 8192 : i32
    %broadcast_in_dim3A_1183 = vector.broadcast %jit3A_1182 : i32 to vector<256x512xi32>
    %select_n3A_1184 = arith.select %ne3A_1180, %add3A_1181, %broadcast_in_dim3A_1183 : vector<256x512xi1>, vector<256x512xi32>
    %reduce_min3A_1185 = arith.constant dense<2147483647> : vector<512xi32>
    %reduce_min3A_1186 = vector.multi_reduction <minsi>, %select_n3A_1184, %reduce_min3A_1185 [0] : vector<256x512xi32> to vector<512xi32>
    %broadcast_in_dim3A_1187 = vector.shape_cast %reduce_min3A_1186 : vector<512xi32> to vector<1x512xi32>
    %eq3A_1188 = arith.constant 8192 : i32
    %eq3A_1189 = vector.broadcast %eq3A_1188 : i32 to vector<1x512xi32>
    %eq3A_1190 = arith.cmpi eq, %broadcast_in_dim3A_1187, %eq3A_1189 : vector<1x512xi32>
    %select_n3A_1191 = arith.select %eq3A_1190, %broadcast_in_dim3A_75, %broadcast_in_dim3A_1187 : vector<1x512xi1>, vector<1x512xi32>
    %shift_right_logical3A_1192 = arith.constant 5 : i32
    %shift_right_logical3A_1193 = vector.broadcast %shift_right_logical3A_1192 : i32 to vector<1x512xi32>
    %shift_right_logical3A_1194 = arith.shrui %broadcast_in_dim3A_1187, %shift_right_logical3A_1193 : vector<1x512xi32>
    %eq3A_1195 = vector.broadcast %shift_right_logical3A_1194 : vector<1x512xi32> to vector<256x512xi32>
    %eq3A_1196 = arith.cmpi eq, %iota3A_56, %eq3A_1195 : vector<256x512xi32>
    %and3A_1197 = arith.constant 31 : i32
    %and3A_1198 = vector.broadcast %and3A_1197 : i32 to vector<1x512xi32>
    %and3A_1199 = arith.andi %broadcast_in_dim3A_1187, %and3A_1198 : vector<1x512xi32>
    %shift_left3A_1200 = arith.constant 1 : i32
    %shift_left3A_1201 = vector.broadcast %shift_left3A_1200 : i32 to vector<1x512xi32>
    %shift_left3A_1202 = arith.shli %shift_left3A_1201, %and3A_1199 : vector<1x512xi32>
    %xor3A_1203 = vector.broadcast %shift_left3A_1202 : vector<1x512xi32> to vector<256x512xi32>
    %xor3A_1204 = arith.xori %select_n3A_1162, %xor3A_1203 : vector<256x512xi32>
    %select_n3A_1205 = arith.select %eq3A_1196, %xor3A_1204, %select_n3A_1162 : vector<256x512xi1>, vector<256x512xi32>
    %neg3A_1206 = arith.constant 0 : i32
    %neg3A_1207 = vector.broadcast %neg3A_1206 : i32 to vector<256x512xi32>
    %neg3A_1208 = arith.subi %neg3A_1207, %select_n3A_1205 : vector<256x512xi32>
    %and3A_1209 = arith.andi %select_n3A_1205, %neg3A_1208 : vector<256x512xi32>
    %convert_element_type3A_1210 = arith.sitofp %and3A_1209 : vector<256x512xi32> to vector<256x512xf32>
    %bitcast_convert_type3A_1211 = tpu.bitcast %convert_element_type3A_1210 : vector<256x512xf32> -> vector<256x512xi32>
    %shift_right_logical3A_1212 = arith.constant 23 : i32
    %shift_right_logical3A_1213 = vector.broadcast %shift_right_logical3A_1212 : i32 to vector<256x512xi32>
    %shift_right_logical3A_1214 = arith.shrui %bitcast_convert_type3A_1211, %shift_right_logical3A_1213 : vector<256x512xi32>
    %and3A_1215 = arith.constant 255 : i32
    %and3A_1216 = vector.broadcast %and3A_1215 : i32 to vector<256x512xi32>
    %and3A_1217 = arith.andi %shift_right_logical3A_1214, %and3A_1216 : vector<256x512xi32>
    %sub3A_1218 = arith.constant 127 : i32
    %sub3A_1219 = vector.broadcast %sub3A_1218 : i32 to vector<256x512xi32>
    %sub3A_1220 = arith.subi %and3A_1217, %sub3A_1219 : vector<256x512xi32>
    %ne3A_1221 = arith.constant 0 : i32
    %ne3A_1222 = vector.broadcast %ne3A_1221 : i32 to vector<256x512xi32>
    %ne3A_1223 = arith.cmpi ne, %select_n3A_1205, %ne3A_1222 : vector<256x512xi32>
    %add3A_1224 = arith.addi %mul3A_55, %sub3A_1220 : vector<256x512xi32>
    %jit3A_1225 = arith.constant 8192 : i32
    %broadcast_in_dim3A_1226 = vector.broadcast %jit3A_1225 : i32 to vector<256x512xi32>
    %select_n3A_1227 = arith.select %ne3A_1223, %add3A_1224, %broadcast_in_dim3A_1226 : vector<256x512xi1>, vector<256x512xi32>
    %reduce_min3A_1228 = arith.constant dense<2147483647> : vector<512xi32>
    %reduce_min3A_1229 = vector.multi_reduction <minsi>, %select_n3A_1227, %reduce_min3A_1228 [0] : vector<256x512xi32> to vector<512xi32>
    %broadcast_in_dim3A_1230 = vector.shape_cast %reduce_min3A_1229 : vector<512xi32> to vector<1x512xi32>
    %eq3A_1231 = arith.constant 8192 : i32
    %eq3A_1232 = vector.broadcast %eq3A_1231 : i32 to vector<1x512xi32>
    %eq3A_1233 = arith.cmpi eq, %broadcast_in_dim3A_1230, %eq3A_1232 : vector<1x512xi32>
    %select_n3A_1234 = arith.select %eq3A_1233, %broadcast_in_dim3A_75, %broadcast_in_dim3A_1230 : vector<1x512xi1>, vector<1x512xi32>
    %shift_right_logical3A_1235 = arith.constant 5 : i32
    %shift_right_logical3A_1236 = vector.broadcast %shift_right_logical3A_1235 : i32 to vector<1x512xi32>
    %shift_right_logical3A_1237 = arith.shrui %broadcast_in_dim3A_1230, %shift_right_logical3A_1236 : vector<1x512xi32>
    %eq3A_1238 = vector.broadcast %shift_right_logical3A_1237 : vector<1x512xi32> to vector<256x512xi32>
    %eq3A_1239 = arith.cmpi eq, %iota3A_56, %eq3A_1238 : vector<256x512xi32>
    %and3A_1240 = arith.constant 31 : i32
    %and3A_1241 = vector.broadcast %and3A_1240 : i32 to vector<1x512xi32>
    %and3A_1242 = arith.andi %broadcast_in_dim3A_1230, %and3A_1241 : vector<1x512xi32>
    %shift_left3A_1243 = arith.constant 1 : i32
    %shift_left3A_1244 = vector.broadcast %shift_left3A_1243 : i32 to vector<1x512xi32>
    %shift_left3A_1245 = arith.shli %shift_left3A_1244, %and3A_1242 : vector<1x512xi32>
    %xor3A_1246 = vector.broadcast %shift_left3A_1245 : vector<1x512xi32> to vector<256x512xi32>
    %xor3A_1247 = arith.xori %select_n3A_1205, %xor3A_1246 : vector<256x512xi32>
    %select_n3A_1248 = arith.select %eq3A_1239, %xor3A_1247, %select_n3A_1205 : vector<256x512xi1>, vector<256x512xi32>
    %neg3A_1249 = arith.constant 0 : i32
    %neg3A_1250 = vector.broadcast %neg3A_1249 : i32 to vector<256x512xi32>
    %neg3A_1251 = arith.subi %neg3A_1250, %select_n3A_1248 : vector<256x512xi32>
    %and3A_1252 = arith.andi %select_n3A_1248, %neg3A_1251 : vector<256x512xi32>
    %convert_element_type3A_1253 = arith.sitofp %and3A_1252 : vector<256x512xi32> to vector<256x512xf32>
    %bitcast_convert_type3A_1254 = tpu.bitcast %convert_element_type3A_1253 : vector<256x512xf32> -> vector<256x512xi32>
    %shift_right_logical3A_1255 = arith.constant 23 : i32
    %shift_right_logical3A_1256 = vector.broadcast %shift_right_logical3A_1255 : i32 to vector<256x512xi32>
    %shift_right_logical3A_1257 = arith.shrui %bitcast_convert_type3A_1254, %shift_right_logical3A_1256 : vector<256x512xi32>
    %and3A_1258 = arith.constant 255 : i32
    %and3A_1259 = vector.broadcast %and3A_1258 : i32 to vector<256x512xi32>
    %and3A_1260 = arith.andi %shift_right_logical3A_1257, %and3A_1259 : vector<256x512xi32>
    %sub3A_1261 = arith.constant 127 : i32
    %sub3A_1262 = vector.broadcast %sub3A_1261 : i32 to vector<256x512xi32>
    %sub3A_1263 = arith.subi %and3A_1260, %sub3A_1262 : vector<256x512xi32>
    %ne3A_1264 = arith.constant 0 : i32
    %ne3A_1265 = vector.broadcast %ne3A_1264 : i32 to vector<256x512xi32>
    %ne3A_1266 = arith.cmpi ne, %select_n3A_1248, %ne3A_1265 : vector<256x512xi32>
    %add3A_1267 = arith.addi %mul3A_55, %sub3A_1263 : vector<256x512xi32>
    %jit3A_1268 = arith.constant 8192 : i32
    %broadcast_in_dim3A_1269 = vector.broadcast %jit3A_1268 : i32 to vector<256x512xi32>
    %select_n3A_1270 = arith.select %ne3A_1266, %add3A_1267, %broadcast_in_dim3A_1269 : vector<256x512xi1>, vector<256x512xi32>
    %reduce_min3A_1271 = arith.constant dense<2147483647> : vector<512xi32>
    %reduce_min3A_1272 = vector.multi_reduction <minsi>, %select_n3A_1270, %reduce_min3A_1271 [0] : vector<256x512xi32> to vector<512xi32>
    %broadcast_in_dim3A_1273 = vector.shape_cast %reduce_min3A_1272 : vector<512xi32> to vector<1x512xi32>
    %eq3A_1274 = arith.constant 8192 : i32
    %eq3A_1275 = vector.broadcast %eq3A_1274 : i32 to vector<1x512xi32>
    %eq3A_1276 = arith.cmpi eq, %broadcast_in_dim3A_1273, %eq3A_1275 : vector<1x512xi32>
    %select_n3A_1277 = arith.select %eq3A_1276, %broadcast_in_dim3A_75, %broadcast_in_dim3A_1273 : vector<1x512xi1>, vector<1x512xi32>
    %shift_right_logical3A_1278 = arith.constant 5 : i32
    %shift_right_logical3A_1279 = vector.broadcast %shift_right_logical3A_1278 : i32 to vector<1x512xi32>
    %shift_right_logical3A_1280 = arith.shrui %broadcast_in_dim3A_1273, %shift_right_logical3A_1279 : vector<1x512xi32>
    %eq3A_1281 = vector.broadcast %shift_right_logical3A_1280 : vector<1x512xi32> to vector<256x512xi32>
    %eq3A_1282 = arith.cmpi eq, %iota3A_56, %eq3A_1281 : vector<256x512xi32>
    %and3A_1283 = arith.constant 31 : i32
    %and3A_1284 = vector.broadcast %and3A_1283 : i32 to vector<1x512xi32>
    %and3A_1285 = arith.andi %broadcast_in_dim3A_1273, %and3A_1284 : vector<1x512xi32>
    %shift_left3A_1286 = arith.constant 1 : i32
    %shift_left3A_1287 = vector.broadcast %shift_left3A_1286 : i32 to vector<1x512xi32>
    %shift_left3A_1288 = arith.shli %shift_left3A_1287, %and3A_1285 : vector<1x512xi32>
    %xor3A_1289 = vector.broadcast %shift_left3A_1288 : vector<1x512xi32> to vector<256x512xi32>
    %xor3A_1290 = arith.xori %select_n3A_1248, %xor3A_1289 : vector<256x512xi32>
    %select_n3A_1291 = arith.select %eq3A_1282, %xor3A_1290, %select_n3A_1248 : vector<256x512xi1>, vector<256x512xi32>
    %neg3A_1292 = arith.constant 0 : i32
    %neg3A_1293 = vector.broadcast %neg3A_1292 : i32 to vector<256x512xi32>
    %neg3A_1294 = arith.subi %neg3A_1293, %select_n3A_1291 : vector<256x512xi32>
    %and3A_1295 = arith.andi %select_n3A_1291, %neg3A_1294 : vector<256x512xi32>
    %convert_element_type3A_1296 = arith.sitofp %and3A_1295 : vector<256x512xi32> to vector<256x512xf32>
    %bitcast_convert_type3A_1297 = tpu.bitcast %convert_element_type3A_1296 : vector<256x512xf32> -> vector<256x512xi32>
    %shift_right_logical3A_1298 = arith.constant 23 : i32
    %shift_right_logical3A_1299 = vector.broadcast %shift_right_logical3A_1298 : i32 to vector<256x512xi32>
    %shift_right_logical3A_1300 = arith.shrui %bitcast_convert_type3A_1297, %shift_right_logical3A_1299 : vector<256x512xi32>
    %and3A_1301 = arith.constant 255 : i32
    %and3A_1302 = vector.broadcast %and3A_1301 : i32 to vector<256x512xi32>
    %and3A_1303 = arith.andi %shift_right_logical3A_1300, %and3A_1302 : vector<256x512xi32>
    %sub3A_1304 = arith.constant 127 : i32
    %sub3A_1305 = vector.broadcast %sub3A_1304 : i32 to vector<256x512xi32>
    %sub3A_1306 = arith.subi %and3A_1303, %sub3A_1305 : vector<256x512xi32>
    %ne3A_1307 = arith.constant 0 : i32
    %ne3A_1308 = vector.broadcast %ne3A_1307 : i32 to vector<256x512xi32>
    %ne3A_1309 = arith.cmpi ne, %select_n3A_1291, %ne3A_1308 : vector<256x512xi32>
    %add3A_1310 = arith.addi %mul3A_55, %sub3A_1306 : vector<256x512xi32>
    %jit3A_1311 = arith.constant 8192 : i32
    %broadcast_in_dim3A_1312 = vector.broadcast %jit3A_1311 : i32 to vector<256x512xi32>
    %select_n3A_1313 = arith.select %ne3A_1309, %add3A_1310, %broadcast_in_dim3A_1312 : vector<256x512xi1>, vector<256x512xi32>
    %reduce_min3A_1314 = arith.constant dense<2147483647> : vector<512xi32>
    %reduce_min3A_1315 = vector.multi_reduction <minsi>, %select_n3A_1313, %reduce_min3A_1314 [0] : vector<256x512xi32> to vector<512xi32>
    %broadcast_in_dim3A_1316 = vector.shape_cast %reduce_min3A_1315 : vector<512xi32> to vector<1x512xi32>
    %eq3A_1317 = arith.constant 8192 : i32
    %eq3A_1318 = vector.broadcast %eq3A_1317 : i32 to vector<1x512xi32>
    %eq3A_1319 = arith.cmpi eq, %broadcast_in_dim3A_1316, %eq3A_1318 : vector<1x512xi32>
    %select_n3A_1320 = arith.select %eq3A_1319, %broadcast_in_dim3A_75, %broadcast_in_dim3A_1316 : vector<1x512xi1>, vector<1x512xi32>
    %shift_right_logical3A_1321 = arith.constant 5 : i32
    %shift_right_logical3A_1322 = vector.broadcast %shift_right_logical3A_1321 : i32 to vector<1x512xi32>
    %shift_right_logical3A_1323 = arith.shrui %broadcast_in_dim3A_1316, %shift_right_logical3A_1322 : vector<1x512xi32>
    %eq3A_1324 = vector.broadcast %shift_right_logical3A_1323 : vector<1x512xi32> to vector<256x512xi32>
    %eq3A_1325 = arith.cmpi eq, %iota3A_56, %eq3A_1324 : vector<256x512xi32>
    %and3A_1326 = arith.constant 31 : i32
    %and3A_1327 = vector.broadcast %and3A_1326 : i32 to vector<1x512xi32>
    %and3A_1328 = arith.andi %broadcast_in_dim3A_1316, %and3A_1327 : vector<1x512xi32>
    %shift_left3A_1329 = arith.constant 1 : i32
    %shift_left3A_1330 = vector.broadcast %shift_left3A_1329 : i32 to vector<1x512xi32>
    %shift_left3A_1331 = arith.shli %shift_left3A_1330, %and3A_1328 : vector<1x512xi32>
    %xor3A_1332 = vector.broadcast %shift_left3A_1331 : vector<1x512xi32> to vector<256x512xi32>
    %xor3A_1333 = arith.xori %select_n3A_1291, %xor3A_1332 : vector<256x512xi32>
    %select_n3A_1334 = arith.select %eq3A_1325, %xor3A_1333, %select_n3A_1291 : vector<256x512xi1>, vector<256x512xi32>
    %neg3A_1335 = arith.constant 0 : i32
    %neg3A_1336 = vector.broadcast %neg3A_1335 : i32 to vector<256x512xi32>
    %neg3A_1337 = arith.subi %neg3A_1336, %select_n3A_1334 : vector<256x512xi32>
    %and3A_1338 = arith.andi %select_n3A_1334, %neg3A_1337 : vector<256x512xi32>
    %convert_element_type3A_1339 = arith.sitofp %and3A_1338 : vector<256x512xi32> to vector<256x512xf32>
    %bitcast_convert_type3A_1340 = tpu.bitcast %convert_element_type3A_1339 : vector<256x512xf32> -> vector<256x512xi32>
    %shift_right_logical3A_1341 = arith.constant 23 : i32
    %shift_right_logical3A_1342 = vector.broadcast %shift_right_logical3A_1341 : i32 to vector<256x512xi32>
    %shift_right_logical3A_1343 = arith.shrui %bitcast_convert_type3A_1340, %shift_right_logical3A_1342 : vector<256x512xi32>
    %and3A_1344 = arith.constant 255 : i32
    %and3A_1345 = vector.broadcast %and3A_1344 : i32 to vector<256x512xi32>
    %and3A_1346 = arith.andi %shift_right_logical3A_1343, %and3A_1345 : vector<256x512xi32>
    %sub3A_1347 = arith.constant 127 : i32
    %sub3A_1348 = vector.broadcast %sub3A_1347 : i32 to vector<256x512xi32>
    %sub3A_1349 = arith.subi %and3A_1346, %sub3A_1348 : vector<256x512xi32>
    %ne3A_1350 = arith.constant 0 : i32
    %ne3A_1351 = vector.broadcast %ne3A_1350 : i32 to vector<256x512xi32>
    %ne3A_1352 = arith.cmpi ne, %select_n3A_1334, %ne3A_1351 : vector<256x512xi32>
    %add3A_1353 = arith.addi %mul3A_55, %sub3A_1349 : vector<256x512xi32>
    %jit3A_1354 = arith.constant 8192 : i32
    %broadcast_in_dim3A_1355 = vector.broadcast %jit3A_1354 : i32 to vector<256x512xi32>
    %select_n3A_1356 = arith.select %ne3A_1352, %add3A_1353, %broadcast_in_dim3A_1355 : vector<256x512xi1>, vector<256x512xi32>
    %reduce_min3A_1357 = arith.constant dense<2147483647> : vector<512xi32>
    %reduce_min3A_1358 = vector.multi_reduction <minsi>, %select_n3A_1356, %reduce_min3A_1357 [0] : vector<256x512xi32> to vector<512xi32>
    %broadcast_in_dim3A_1359 = vector.shape_cast %reduce_min3A_1358 : vector<512xi32> to vector<1x512xi32>
    %eq3A_1360 = arith.constant 8192 : i32
    %eq3A_1361 = vector.broadcast %eq3A_1360 : i32 to vector<1x512xi32>
    %eq3A_1362 = arith.cmpi eq, %broadcast_in_dim3A_1359, %eq3A_1361 : vector<1x512xi32>
    %select_n3A_1363 = arith.select %eq3A_1362, %broadcast_in_dim3A_75, %broadcast_in_dim3A_1359 : vector<1x512xi1>, vector<1x512xi32>
    %shift_right_logical3A_1364 = arith.constant 5 : i32
    %shift_right_logical3A_1365 = vector.broadcast %shift_right_logical3A_1364 : i32 to vector<1x512xi32>
    %shift_right_logical3A_1366 = arith.shrui %broadcast_in_dim3A_1359, %shift_right_logical3A_1365 : vector<1x512xi32>
    %eq3A_1367 = vector.broadcast %shift_right_logical3A_1366 : vector<1x512xi32> to vector<256x512xi32>
    %eq3A_1368 = arith.cmpi eq, %iota3A_56, %eq3A_1367 : vector<256x512xi32>
    %and3A_1369 = arith.constant 31 : i32
    %and3A_1370 = vector.broadcast %and3A_1369 : i32 to vector<1x512xi32>
    %and3A_1371 = arith.andi %broadcast_in_dim3A_1359, %and3A_1370 : vector<1x512xi32>
    %shift_left3A_1372 = arith.constant 1 : i32
    %shift_left3A_1373 = vector.broadcast %shift_left3A_1372 : i32 to vector<1x512xi32>
    %shift_left3A_1374 = arith.shli %shift_left3A_1373, %and3A_1371 : vector<1x512xi32>
    %xor3A_1375 = vector.broadcast %shift_left3A_1374 : vector<1x512xi32> to vector<256x512xi32>
    %xor3A_1376 = arith.xori %select_n3A_1334, %xor3A_1375 : vector<256x512xi32>
    %select_n3A_1377 = arith.select %eq3A_1368, %xor3A_1376, %select_n3A_1334 : vector<256x512xi1>, vector<256x512xi32>
    %neg3A_1378 = arith.constant 0 : i32
    %neg3A_1379 = vector.broadcast %neg3A_1378 : i32 to vector<256x512xi32>
    %neg3A_1380 = arith.subi %neg3A_1379, %select_n3A_1377 : vector<256x512xi32>
    %and3A_1381 = arith.andi %select_n3A_1377, %neg3A_1380 : vector<256x512xi32>
    %convert_element_type3A_1382 = arith.sitofp %and3A_1381 : vector<256x512xi32> to vector<256x512xf32>
    %bitcast_convert_type3A_1383 = tpu.bitcast %convert_element_type3A_1382 : vector<256x512xf32> -> vector<256x512xi32>
    %shift_right_logical3A_1384 = arith.constant 23 : i32
    %shift_right_logical3A_1385 = vector.broadcast %shift_right_logical3A_1384 : i32 to vector<256x512xi32>
    %shift_right_logical3A_1386 = arith.shrui %bitcast_convert_type3A_1383, %shift_right_logical3A_1385 : vector<256x512xi32>
    %and3A_1387 = arith.constant 255 : i32
    %and3A_1388 = vector.broadcast %and3A_1387 : i32 to vector<256x512xi32>
    %and3A_1389 = arith.andi %shift_right_logical3A_1386, %and3A_1388 : vector<256x512xi32>
    %sub3A_1390 = arith.constant 127 : i32
    %sub3A_1391 = vector.broadcast %sub3A_1390 : i32 to vector<256x512xi32>
    %sub3A_1392 = arith.subi %and3A_1389, %sub3A_1391 : vector<256x512xi32>
    %ne3A_1393 = arith.constant 0 : i32
    %ne3A_1394 = vector.broadcast %ne3A_1393 : i32 to vector<256x512xi32>
    %ne3A_1395 = arith.cmpi ne, %select_n3A_1377, %ne3A_1394 : vector<256x512xi32>
    %add3A_1396 = arith.addi %mul3A_55, %sub3A_1392 : vector<256x512xi32>
    %jit3A_1397 = arith.constant 8192 : i32
    %broadcast_in_dim3A_1398 = vector.broadcast %jit3A_1397 : i32 to vector<256x512xi32>
    %select_n3A_1399 = arith.select %ne3A_1395, %add3A_1396, %broadcast_in_dim3A_1398 : vector<256x512xi1>, vector<256x512xi32>
    %reduce_min3A_1400 = arith.constant dense<2147483647> : vector<512xi32>
    %reduce_min3A_1401 = vector.multi_reduction <minsi>, %select_n3A_1399, %reduce_min3A_1400 [0] : vector<256x512xi32> to vector<512xi32>
    %broadcast_in_dim3A_1402 = vector.shape_cast %reduce_min3A_1401 : vector<512xi32> to vector<1x512xi32>
    %eq3A_1403 = arith.constant 8192 : i32
    %eq3A_1404 = vector.broadcast %eq3A_1403 : i32 to vector<1x512xi32>
    %eq3A_1405 = arith.cmpi eq, %broadcast_in_dim3A_1402, %eq3A_1404 : vector<1x512xi32>
    %select_n3A_1406 = arith.select %eq3A_1405, %broadcast_in_dim3A_75, %broadcast_in_dim3A_1402 : vector<1x512xi1>, vector<1x512xi32>
    %concatenate3A = tpu.concatenate %broadcast_in_dim3A_75, %select_n3A_116, %select_n3A_159, %select_n3A_202, %select_n3A_245, %select_n3A_288, %select_n3A_331, %select_n3A_374, %select_n3A_417, %select_n3A_460, %select_n3A_503, %select_n3A_546, %select_n3A_589, %select_n3A_632, %select_n3A_675, %select_n3A_718, %select_n3A_761, %select_n3A_804, %select_n3A_847, %select_n3A_890, %select_n3A_933, %select_n3A_976, %select_n3A_1019, %select_n3A_1062, %select_n3A_1105, %select_n3A_1148, %select_n3A_1191, %select_n3A_1234, %select_n3A_1277, %select_n3A_1320, %select_n3A_1363, %select_n3A_1406 in 0 : vector<1x512xi32>, vector<1x512xi32>, vector<1x512xi32>, vector<1x512xi32>, vector<1x512xi32>, vector<1x512xi32>, vector<1x512xi32>, vector<1x512xi32>, vector<1x512xi32>, vector<1x512xi32>, vector<1x512xi32>, vector<1x512xi32>, vector<1x512xi32>, vector<1x512xi32>, vector<1x512xi32>, vector<1x512xi32>, vector<1x512xi32>, vector<1x512xi32>, vector<1x512xi32>, vector<1x512xi32>, vector<1x512xi32>, vector<1x512xi32>, vector<1x512xi32>, vector<1x512xi32>, vector<1x512xi32>, vector<1x512xi32>, vector<1x512xi32>, vector<1x512xi32>, vector<1x512xi32>, vector<1x512xi32>, vector<1x512xi32>, vector<1x512xi32> -> vector<32x512xi32>
    %swap3A = arith.constant 0 : index
    %swap3A_1407 = arith.constant 0 : index
    %swap3A_1408 = arith.constant 0 : index
    %swap3A_1409 = vector.load %arg4[%swap3A, %swap3A_1407, %swap3A_1408] : memref<1x32x512xi32, #tpu.memory_space<vmem>>, vector<1x32x512xi32>
    %swap3A_1410 = vector.shape_cast %swap3A_1409 : vector<1x32x512xi32> to vector<32x512xi32>
    %swap3A_1411 = vector.shape_cast %concatenate3A : vector<32x512xi32> to vector<1x32x512xi32>
    tpu.vector_store %arg4[%swap3A, %swap3A_1407, %swap3A_1408], %swap3A_1411 {strides = array<i32>} : memref<1x32x512xi32, #tpu.memory_space<vmem>>, vector<1x32x512xi32>,
    return
  }
  func.func @transform_0(%arg0: i32, %arg1: i32) -> (i32, i32, i32) {
    %c0_i32 = arith.constant 0 : i32
    %c0_i32_0 = arith.constant 0 : i32
    %c0_i32_1 = arith.constant 0 : i32
    return %arg0, %c0_i32, %c0_i32_0 : i32, i32, i32
  }
  func.func @transform_1(%arg0: i32, %arg1: i32) -> (i32, i32, i32) {
    %c0_i32 = arith.constant 0 : i32
    %c0_i32_0 = arith.constant 0 : i32
    return %arg0, %c0_i32, %arg1 : i32, i32, i32
  }
  func.func @transform_2(%arg0: i32, %arg1: i32) -> (i32, i32, i32) {
    %c0_i32 = arith.constant 0 : i32
    %c0_i32_0 = arith.constant 0 : i32
    return %arg0, %c0_i32, %arg1 : i32, i32, i32
  }
}

module attributes {stable_mosaic.version = 14 : i64} {
  func.func @_mlp_body(%arg0: i32, %arg1: i32, %arg2: memref<1x16384x128xf32, #tpu.memory_space<vmem>>, %arg3: memref<1x512x8xf32, #tpu.memory_space<vmem>>, %arg4: memref<128x64xf32, #tpu.memory_space<vmem>>, %arg5: memref<8x64xf32, #tpu.memory_space<vmem>>, %arg6: memref<1x64xf32, #tpu.memory_space<vmem>>, %arg7: memref<64x64xf32, #tpu.memory_space<vmem>>, %arg8: memref<1x64xf32, #tpu.memory_space<vmem>>, %arg9: memref<64x128xf32, #tpu.memory_space<vmem>>, %arg10: memref<1x128xf32, #tpu.memory_space<vmem>>, %arg11: memref<1x512x128xf32, #tpu.memory_space<vmem>>) attributes {dimension_semantics = [#tpu.dimension_semantics<arbitrary>, #tpu.dimension_semantics<arbitrary>], iteration_bounds = array<i64: 4, 1>, scalar_prefetch = 0 : i64, scratch_operands = 0 : i64, tpu.core_type = #tpu.core_type<tc>, window_params = [{transform_indices = @transform_0, window_bounds = array<i64: 1, 16384, 128>}, {transform_indices = @transform_1, window_bounds = array<i64: 1, 512, 8>}, {pipeline_mode = #tpu.pipeline_mode<synchronous>, transform_indices = @transform_2, window_bounds = array<i64: 128, 64>}, {pipeline_mode = #tpu.pipeline_mode<synchronous>, transform_indices = @transform_3, window_bounds = array<i64: 8, 64>}, {pipeline_mode = #tpu.pipeline_mode<synchronous>, transform_indices = @transform_4, window_bounds = array<i64: 1, 64>}, {pipeline_mode = #tpu.pipeline_mode<synchronous>, transform_indices = @transform_5, window_bounds = array<i64: 64, 64>}, {pipeline_mode = #tpu.pipeline_mode<synchronous>, transform_indices = @transform_6, window_bounds = array<i64: 1, 64>}, {pipeline_mode = #tpu.pipeline_mode<synchronous>, transform_indices = @transform_7, window_bounds = array<i64: 64, 128>}, {pipeline_mode = #tpu.pipeline_mode<synchronous>, transform_indices = @transform_8, window_bounds = array<i64: 1, 128>}, {transform_indices = @transform_9, window_bounds = array<i64: 1, 512, 128>}]} {
    %get3A = arith.constant 0 : index
    %get3A_0 = arith.constant 0 : index
    %get3A_1 = arith.constant 0 : index
    %get3A_2 = vector.load %arg2[%get3A, %get3A_0, %get3A_1] : memref<1x16384x128xf32, #tpu.memory_space<vmem>>, vector<1x16384x128xf32>
    %get3A_3 = vector.shape_cast %get3A_2 : vector<1x16384x128xf32> to vector<16384x128xf32>
    %get3A_4 = arith.constant 0 : index
    %get3A_5 = arith.constant 0 : index
    %get3A_6 = vector.load %arg4[%get3A_4, %get3A_5] : memref<128x64xf32, #tpu.memory_space<vmem>>, vector<128x64xf32>
    %dot_general3A = arith.constant dense<0.000000e+00> : vector<16384x64xf32>
    %dot_general3A_7 = tpu.matmul %get3A_3, %get3A_6, %dot_general3A {dimension_numbers = #tpu.dot_dimension_numbers<[1], [0], [0], [1], [0, 0, 1, 1], [], []>, transpose_lhs_hint = false} : vector<16384x128xf32>, vector<128x64xf32>, vector<16384x64xf32> -> vector<16384x64xf32>
    %get3A_8 = arith.constant 0 : index
    %get3A_9 = arith.constant 0 : index
    %get3A_10 = arith.constant 0 : index
    %get3A_11 = vector.load %arg3[%get3A_8, %get3A_9, %get3A_10] : memref<1x512x8xf32, #tpu.memory_space<vmem>>, vector<1x512x8xf32>
    %get3A_12 = vector.shape_cast %get3A_11 : vector<1x512x8xf32> to vector<512x8xf32>
    %get3A_13 = arith.constant 0 : index
    %get3A_14 = arith.constant 0 : index
    %get3A_15 = vector.load %arg5[%get3A_13, %get3A_14] : memref<8x64xf32, #tpu.memory_space<vmem>>, vector<8x64xf32>
    %dot_general3A_16 = arith.constant dense<0.000000e+00> : vector<512x64xf32>
    %dot_general3A_17 = tpu.matmul %get3A_12, %get3A_15, %dot_general3A_16 {dimension_numbers = #tpu.dot_dimension_numbers<[1], [0], [0], [1], [0, 0, 1, 1], [], []>, transpose_lhs_hint = false} : vector<512x8xf32>, vector<8x64xf32>, vector<512x64xf32> -> vector<512x64xf32>
    %reshape3A = vector.shape_cast %dot_general3A_7 : vector<16384x64xf32> to vector<512x32x64xf32>
    %broadcast_in_dim3A = vector.shape_cast %dot_general3A_17 : vector<512x64xf32> to vector<512x1x64xf32>
    %sub3A = vector.broadcast %broadcast_in_dim3A : vector<512x1x64xf32> to vector<512x32x64xf32>
    %sub3A_18 = arith.subf %reshape3A, %sub3A : vector<512x32x64xf32>
    %get3A_19 = arith.constant 0 : index
    %get3A_20 = arith.constant 0 : index
    %get3A_21 = vector.load %arg6[%get3A_19, %get3A_20] : memref<1x64xf32, #tpu.memory_space<vmem>>, vector<1x64xf32>
    %broadcast_in_dim3A_22 = vector.shape_cast %get3A_21 : vector<1x64xf32> to vector<1x1x64xf32>
    %add3A = vector.broadcast %broadcast_in_dim3A_22 : vector<1x1x64xf32> to vector<512x32x64xf32>
    %add3A_23 = arith.addf %sub3A_18, %add3A : vector<512x32x64xf32>
    %max3A = arith.constant 0.000000e+00 : f32
    %max3A_24 = vector.broadcast %max3A : f32 to vector<512x32x64xf32>
    %max3A_25 = arith.maximumf %add3A_23, %max3A_24 : vector<512x32x64xf32>
    %reshape3A_26 = vector.shape_cast %max3A_25 : vector<512x32x64xf32> to vector<16384x64xf32>
    %get3A_27 = arith.constant 0 : index
    %get3A_28 = arith.constant 0 : index
    %get3A_29 = vector.load %arg7[%get3A_27, %get3A_28] : memref<64x64xf32, #tpu.memory_space<vmem>>, vector<64x64xf32>
    %dot_general3A_30 = arith.constant dense<0.000000e+00> : vector<16384x64xf32>
    %dot_general3A_31 = tpu.matmul %reshape3A_26, %get3A_29, %dot_general3A_30 {dimension_numbers = #tpu.dot_dimension_numbers<[1], [0], [0], [1], [0, 0, 1, 1], [], []>, transpose_lhs_hint = false} : vector<16384x64xf32>, vector<64x64xf32>, vector<16384x64xf32> -> vector<16384x64xf32>
    %get3A_32 = arith.constant 0 : index
    %get3A_33 = arith.constant 0 : index
    %get3A_34 = vector.load %arg8[%get3A_32, %get3A_33] : memref<1x64xf32, #tpu.memory_space<vmem>>, vector<1x64xf32>
    %add3A_35 = vector.broadcast %get3A_34 : vector<1x64xf32> to vector<16384x64xf32>
    %add3A_36 = arith.addf %dot_general3A_31, %add3A_35 : vector<16384x64xf32>
    %max3A_37 = arith.constant 0.000000e+00 : f32
    %max3A_38 = vector.broadcast %max3A_37 : f32 to vector<16384x64xf32>
    %max3A_39 = arith.maximumf %add3A_36, %max3A_38 : vector<16384x64xf32>
    %get3A_40 = arith.constant 0 : index
    %get3A_41 = arith.constant 0 : index
    %get3A_42 = vector.load %arg9[%get3A_40, %get3A_41] : memref<64x128xf32, #tpu.memory_space<vmem>>, vector<64x128xf32>
    %dot_general3A_43 = arith.constant dense<0.000000e+00> : vector<16384x128xf32>
    %dot_general3A_44 = tpu.matmul %max3A_39, %get3A_42, %dot_general3A_43 {dimension_numbers = #tpu.dot_dimension_numbers<[1], [0], [0], [1], [0, 0, 1, 1], [], []>, transpose_lhs_hint = false} : vector<16384x64xf32>, vector<64x128xf32>, vector<16384x128xf32> -> vector<16384x128xf32>
    %get3A_45 = arith.constant 0 : index
    %get3A_46 = arith.constant 0 : index
    %get3A_47 = vector.load %arg10[%get3A_45, %get3A_46] : memref<1x128xf32, #tpu.memory_space<vmem>>, vector<1x128xf32>
    %add3A_48 = vector.broadcast %get3A_47 : vector<1x128xf32> to vector<16384x128xf32>
    %add3A_49 = arith.addf %dot_general3A_44, %add3A_48 : vector<16384x128xf32>
    %max3A_50 = arith.constant 0.000000e+00 : f32
    %max3A_51 = vector.broadcast %max3A_50 : f32 to vector<16384x128xf32>
    %max3A_52 = arith.maximumf %add3A_49, %max3A_51 : vector<16384x128xf32>
    %reshape3A_53 = vector.shape_cast %max3A_52 : vector<16384x128xf32> to vector<512x32x128xf32>
    %reduce_max3A = arith.constant dense<0xFF800000> : vector<512x128xf32>
    %reduce_max3A_54 = vector.multi_reduction <maximumf>, %reshape3A_53, %reduce_max3A [1] : vector<512x32x128xf32> to vector<512x128xf32>
    %swap3A = arith.constant 0 : index
    %swap3A_55 = arith.constant 0 : index
    %swap3A_56 = arith.constant 0 : index
    %swap3A_57 = vector.load %arg11[%swap3A, %swap3A_55, %swap3A_56] : memref<1x512x128xf32, #tpu.memory_space<vmem>>, vector<1x512x128xf32>
    %swap3A_58 = vector.shape_cast %swap3A_57 : vector<1x512x128xf32> to vector<512x128xf32>
    %swap3A_59 = vector.shape_cast %reduce_max3A_54 : vector<512x128xf32> to vector<1x512x128xf32>
    tpu.vector_store %arg11[%swap3A, %swap3A_55, %swap3A_56], %swap3A_59 {strides = array<i32>} : memref<1x512x128xf32, #tpu.memory_space<vmem>>, vector<1x512x128xf32>,
    return
  }
  func.func @transform_0(%arg0: i32, %arg1: i32) -> (i32, i32, i32) {
    %c0_i32 = arith.constant 0 : i32
    %c0_i32_0 = arith.constant 0 : i32
    return %arg0, %arg1, %c0_i32 : i32, i32, i32
  }
  func.func @transform_1(%arg0: i32, %arg1: i32) -> (i32, i32, i32) {
    %c0_i32 = arith.constant 0 : i32
    %c0_i32_0 = arith.constant 0 : i32
    return %arg0, %arg1, %c0_i32 : i32, i32, i32
  }
  func.func @transform_2(%arg0: i32, %arg1: i32) -> (i32, i32) {
    %c0_i32 = arith.constant 0 : i32
    %c0_i32_0 = arith.constant 0 : i32
    %c0_i32_1 = arith.constant 0 : i32
    return %c0_i32, %c0_i32_0 : i32, i32
  }
  func.func @transform_3(%arg0: i32, %arg1: i32) -> (i32, i32) {
    %c0_i32 = arith.constant 0 : i32
    %c0_i32_0 = arith.constant 0 : i32
    %c0_i32_1 = arith.constant 0 : i32
    return %c0_i32, %c0_i32_0 : i32, i32
  }
  func.func @transform_4(%arg0: i32, %arg1: i32) -> (i32, i32) {
    %c0_i32 = arith.constant 0 : i32
    %c0_i32_0 = arith.constant 0 : i32
    %c0_i32_1 = arith.constant 0 : i32
    return %c0_i32, %c0_i32_0 : i32, i32
  }
  func.func @transform_5(%arg0: i32, %arg1: i32) -> (i32, i32) {
    %c0_i32 = arith.constant 0 : i32
    %c0_i32_0 = arith.constant 0 : i32
    %c0_i32_1 = arith.constant 0 : i32
    return %c0_i32, %c0_i32_0 : i32, i32
  }
  func.func @transform_6(%arg0: i32, %arg1: i32) -> (i32, i32) {
    %c0_i32 = arith.constant 0 : i32
    %c0_i32_0 = arith.constant 0 : i32
    %c0_i32_1 = arith.constant 0 : i32
    return %c0_i32, %c0_i32_0 : i32, i32
  }
  func.func @transform_7(%arg0: i32, %arg1: i32) -> (i32, i32) {
    %c0_i32 = arith.constant 0 : i32
    %c0_i32_0 = arith.constant 0 : i32
    %c0_i32_1 = arith.constant 0 : i32
    return %c0_i32, %c0_i32_0 : i32, i32
  }
  func.func @transform_8(%arg0: i32, %arg1: i32) -> (i32, i32) {
    %c0_i32 = arith.constant 0 : i32
    %c0_i32_0 = arith.constant 0 : i32
    %c0_i32_1 = arith.constant 0 : i32
    return %c0_i32, %c0_i32_0 : i32, i32
  }
  func.func @transform_9(%arg0: i32, %arg1: i32) -> (i32, i32, i32) {
    %c0_i32 = arith.constant 0 : i32
    %c0_i32_0 = arith.constant 0 : i32
    return %arg0, %arg1, %c0_i32 : i32, i32, i32
  }
}

</mosaic_0001>

<sc_bundles>
// kernel: kernel.6.cloned.1.call-start
scs
__scs_entry_jumppad:
0x0: {  	(pc) =	sbr.rel $0x88, $3  }
0x1: {  	(tag) =	ssettag $0x0;
	lr =	simm.s32 $0x1  }
0x2: {  	[smem:$0x3F99] =	sst lr;
	_ =	strace $0xD0000000  }
0x3: {  	_ = 	snop  }
0x4: {  	_ = 	snop  }
0x5: {  	_ = 	snop  }
0x6: {  	_ = 	snop  }
0x7: {  	_ = 	snop  }
__scs_overlays_trampoline_lowered:
0x8: {  	[smem:$0x3FA8] =	sst s0  }
0x9: {  	[smem:$0x3FA9] =	sst s1  }
0xa: {  	[smem:$0x3FAA] =	sst s2  }
0xb: {  	[smem:$0x3FAB] =	sst s3  }
0xc: {  	[smem:$0x3FAC] =	sst s4  }
0xd: {  	[smem:$0x3FAD] =	sst s5  }
0xe: {  	[smem:$0x3FAE] =	sst s6  }
0xf: {  	[smem:$0x3FAF] =	sst s7  }
0x10: {  	[smem:$0x3FB0] =	sst s8  }
0x11: {  	[smem:$0x3FB1] =	sst s9;
	s0 =	simm.s32 @!p0 $0x0  }
0x12: {  	s1 =	sld [smem:$0x3F97];
	s0 =	simm.s32 @p0 $0x1  }
0x13: {  	[smem:$0x3FB2] =	sst s0;
	s0 =	simm.s32 @!p1 $0x0  }
0x14: {  	s2 =	sld [smem:$0x3F96];
	s0 =	simm.s32 @p1 $0x1  }
0x15: {  	[smem:$0x3FB3] =	sst s0;
	s0 =	simm.s32 @!p2 $0x0  }
0x16: {  	s3 =	sld [smem:$0x3FDB];
	s0 =	simm.s32 @p2 $0x1  }
0x17: {  	s4 =	simm.s32 $0x1BF5;
	[smem:$0x3FB5] =	sst s0  }
0x18: {  	s0 =	sld [smem:$0x3F98];
	_ =	swait.ge [sflag:s4], $0x0  }
0x19: {  	s7 =	sld [smem:$0x3F99]  }
0x1a: {  	s8 =	sadd.s32 $0xFFFFE003, lr  }
0x1b: {  	s9 =	sadd.s32 $0xFFFFFEF7, lr;
	s5 =	simm.s32 $0xFFFFFFFF;
	p2 =	slt.u32 s8, $0xFFFFF086  }
0x1c: {  	p1 =	slt.u32 s9, $0xF7A;
	s5 =	simm.s32 @!p2 $0x0  }
0x1d: {  	s5 =	simm.s32 @p1 $0x1;
	p0 =	seq.s32 s7, s2  }
0x1e: {  	s7 =	smul.u32 @!p0 $0xF7A, s2;
	p2 =	seq.s32 @!p0 s5, $0x0  }
0x1f: {  	s9 =	smul.u32 $0xF7A, s1;
	s8 =	simm.s32 @!p0 $0x1BF5;
	p2 =	por !p2, p0  }
0x20: {  	[sflag:s8] =	ssyncset.s32 @!p0 $0xFFFFF086;
	s6 =	sadd.s32 @!p0 s3, s7;
	s7 =	simm.s32 @!p0 $0x108  }
0x21: {  	s3 =	sadd.s32 s3, s9;
	s6 =	sadd.s32 @!p0 $0x88, s6;
	s7 =	simm.s32 @p2 $0x1082  }
0x22: {  	[simem:s7], [sflag:s8] =	dma.local @!p0 [hbm:s6], $0xF7A  }
0x23: {  	s9 =	sor.u32 $0xD0000000, s2;
	s6 =	simm.s32 $0x108;
	_ =	swait.ge @!p0 [sflag:s8], $0x0  }
0x24: {  	s3 =	sadd.s32 $0x88, s3;
	s6 =	simm.s32 @!p1 $0x1082;
	[sflag:s4] =	ssyncset.s32 $0xFFFFF086  }
0x25: {  	[simem:s6], [sflag:s4] =	dma.local [hbm:s3], $0xF7A  }
0x26: {  	[smem:$0x3F99] =	sst s1;
	(tag) =	ssettag s2;
	_ =	strace s9  }
0x27: {  	s1 =	sld [smem:$0x3FA9]  }
0x28: {  	s2 =	sld [smem:$0x3FAA]  }
0x29: {  	s4 =	sld [smem:$0x3FAC]  }
0x2a: {  	p0 =	seq.s32 s5, $0x0;
	s5 =	sld [smem:$0x3FAD]  }
0x2b: {  	s6 =	sld [smem:$0x3FAE]  }
0x2c: {  	s7 =	sld [smem:$0x3FAF]  }
0x2d: {  	s3 =	simm.s32 $0x108;
	s8 =	sld [smem:$0x3FB0]  }
0x2e: {  	s3 =	simm.s32 @!p0 $0x1082;
	s9 =	sld [smem:$0x3FB1]  }
0x2f: {  	lr =	sadd.s32 s0, s3;
	s0 =	sld [smem:$0x3FA8]  }
0x30: {  	s3 =	sld [smem:$0x3FAB]  }
0x31: {  	[smem:$0x3FB4] =	sst s10  }
0x32: {  	s10 =	sld [smem:$0x3FB2];
	_ =	sdelay $0x3  }
0x33: {  	p0 =	seq.s32 s10, $0x1;
	s10 =	sld [smem:$0x3FB4];
	_ =	sdelay $0x3  }
0x34: {  	[smem:$0x3FB4] =	sst s10  }
0x35: {  	s10 =	sld [smem:$0x3FB3];
	_ =	sdelay $0x3  }
0x36: {  	p1 =	seq.s32 s10, $0x1;
	s10 =	sld [smem:$0x3FB4];
	_ =	sdelay $0x3  }
0x37: {  	[smem:$0x3FB4] =	sst s10  }
0x38: {  	s10 =	sld [smem:$0x3FB5]  }
0x39: {  	_ = 	snop;
	(pc) =	sbr.ind lr, $3  }
0x3a: {  	_ = 	snop  }
0x3b: {  	_ = 	snop  }
0x3c: {  	p2 =	seq.s32 s10, $0x1;
	s10 =	sld [smem:$0x3FB4]  }
0x3d: {  	_ =	shalt  }
0x3e: {  	_ =	shalt  }
0x3f: {  	_ =	shalt  }
0x40: {  	_ =	shalt  }
0x41: {  	_ =	shalt  }
0x42: {  	_ =	shalt  }
0x43: {  	_ =	shalt  }
0x44: {  	_ =	shalt  }
0x45: {  	_ =	shalt  }
0x46: {  	_ =	shalt  }
0x47: {  	_ =	shalt  }
0x48: {  	_ =	shalt  }
0x49: {  	_ =	shalt  }
0x4a: {  	_ =	shalt  }
0x4b: {  	_ =	shalt  }
0x4c: {  	_ =	shalt  }
0x4d: {  	_ =	shalt  }
0x4e: {  	_ =	shalt  }
0x4f: {  	_ =	shalt  }
0x50: {  	_ =	shalt  }
0x51: {  	_ =	shalt  }
0x52: {  	_ =	shalt  }
0x53: {  	_ =	shalt  }
0x54: {  	_ =	shalt  }
0x55: {  	_ =	shalt  }
0x56: {  	_ =	shalt  }
0x57: {  	_ =	shalt  }
0x58: {  	_ =	shalt  }
0x59: {  	_ =	shalt  }
0x5a: {  	_ =	shalt  }
0x5b: {  	_ =	shalt  }
0x5c: {  	_ =	shalt  }
0x5d: {  	_ =	shalt  }
0x5e: {  	_ =	shalt  }
0x5f: {  	_ =	shalt  }
0x60: {  	_ =	shalt  }
0x61: {  	_ =	shalt  }
0x62: {  	_ =	shalt  }
0x63: {  	_ =	shalt  }
0x64: {  	_ =	shalt  }
0x65: {  	_ =	shalt  }
0x66: {  	_ =	shalt  }
0x67: {  	_ =	shalt  }
0x68: {  	_ =	shalt  }
0x69: {  	_ =	shalt  }
0x6a: {  	_ =	shalt  }
0x6b: {  	_ =	shalt  }
0x6c: {  	_ =	shalt  }
0x6d: {  	_ =	shalt  }
0x6e: {  	_ =	shalt  }
0x6f: {  	_ =	shalt  }
0x70: {  	_ =	shalt  }
0x71: {  	_ =	shalt  }
0x72: {  	_ =	shalt  }
0x73: {  	_ =	shalt  }
0x74: {  	_ =	shalt  }
0x75: {  	_ =	shalt  }
0x76: {  	_ =	shalt  }
0x77: {  	_ =	shalt  }
0x78: {  	_ =	shalt  }
0x79: {  	_ =	shalt  }
0x7a: {  	_ =	shalt  }
0x7b: {  	_ =	shalt  }
0x7c: {  	_ =	shalt  }
0x7d: {  	_ =	shalt  }
0x7e: {  	_ =	shalt  }
0x7f: {  	_ =	shalt  }
0x80: {  	_ =	shalt  }
0x81: {  	_ =	shalt  }
0x82: {  	_ =	shalt  }
0x83: {  	_ =	shalt  }
0x84: {  	_ =	shalt  }
0x85: {  	_ =	shalt  }
0x86: {  	_ =	shalt  }
0x87: {  	_ =	shalt  }
.Lfunc_end0:
.L_simem_size_0:
called_computation_lowered:
.L_overlay_start_0:
0x88: {  	s2 =	sld [smem:$0x3FD9]  }
0x89: {  	s3 =	sld [smem:$0x3FFE];
	_ =	sdelay $0x1  }
0x8a: {  	s1 =	srdreg.scid  }
0x8b: {  	s0 =	sand.u32 $0x1, s1  }
0x8c: {  	s14 =	sshll.u32 s0, $0xA;
	s2 =	sadd.s32 s3, s2  }
0x8d: {  	s2 =	sadd.s32 s2, s14  }
0x8e: {  	[smem:$0x3FC0] =	sst s2  }
0x8f: {  	_ = 	snop  }
0x90: {  	s2 =	sld [smem:$0x3FD0];
	_ =	sdelay $0x2  }
0x91: {  	s15 =	simm.s32 $0xA;
	s4 =	simm.s32 $0x10  }
0x92: {  	[smem:s4], [sflag:s15] =	dma.local [hbm:s2], $0x1  }
0x93: {  	_ =	swait.eq [sflag:s15], $0x1  }
0x94: {  	[sflag:s15] =	ssyncset.done $0x0  }
0x95: {  	[sflag:s15] =	ssyncadd.s32 $0xFFFFFFFF  }
0x96: {  	s16 =	sld [smem:$0x11];
	(tm) =	ssettm $0x1  }
0x97: {  	s17 =	sld [smem:$0x3FFB];
	_ =	sdelay $0x3  }
0x98: {  	_ =	strace s17  }
0x99: {  	s3 =	sld [smem:$0x3FFC];
	_ =	sdelay $0x3  }
0x9a: {  	_ =	strace s3  }
0x9b: {  	s3 =	sld [smem:$0x3FFD];
	_ =	sdelay $0x3  }
0x9c: {  	_ =	strace s3  }
0x9d: {  	_ =	strace $0x8FFFFFFF  }
0x9e: {  	s18 =	sld [smem:$0x3FDB];
	_ =	sdelay $0x1  }
0x9f: {  	s19 =	simm.s32 $_scs_section_size  }
0xa0: {  	s5 =	simm.s32 $_size__tile_overlayer_lowered;
	s6 =	simm.s32 $_tile_overlayer_lowered  }
0xa1: {  	s22 =	simm.s32 $0x1BFF;
	s21 =	sshll.u32 s6, $0x1;
	s3 =	sadd.s32 s19, s18  }
0xa2: {  	s7 =	simm.s32 $0x0;
	s20 =	sshll.u32 s5, $0x1;
	s5 =	sadd.s32 s21, s3  }
0xa3: {  	[timem:s7], [sflag:s22] =	dma.local [hbm:s5], s20  }
0xa4: {  	_ =	swait.ge [sflag:s22], s20  }
0xa5: {  	s4 =	ssub.s32 $0x0, s20;
	[sflag:s22] =	ssyncset.done $0x0  }
0xa6: {  	[sflag:s22] =	ssyncadd.s32 s4;
	_ =	sdelay $0x1  }
0xa7: {  	s23 =	simm.s32 $0x1B8B  }
0xa8: {  	_ =	swait.ge [sflag:s23], $0x1  }
0xa9: {  	[sflag:s23] =	ssyncset.done $0x0  }
0xaa: {  	s25 =	simm.s32 $0x1B8E;
	s24 =	sld [smem:$0x3FFE];
	[sflag:s23] =	ssyncadd.s32 $0xFFFFFFFF  }
0xab: {  	s26 =	simm.s32 $execute0_lowered;
	[smem:$0x3FD2] =	sst s25  }
0xac: {  	s5 =	sshll.u32 s26, $0x1;
	_ =	strace $0x80000046;
	[dreg:$0x1] =	wrdreg $0xFFFFFFFF  }
0xad: {  	s28 =	simm.s32 $_size_execute0_lowered;
	s3 =	sadd.s32 s3, s5;
	[dreg:$0x0] =	wrdreg $0x0  }
0xae: {  	s5 =	sshll.u32 s28, $0x1;
	[dreg:$0x2] =	wrdreg s3  }
0xaf: {  	[dreg:$0x3] =	wrdreg s5  }
0xb0: {  	[dreg:$0x4] =	wrdreg $0xC0  }
0xb1: {  	_ =	task [dreg:s7], $0x5FFFF  }
0xb2: {  	[dreg:$0x1] =	wrdreg $0xFFFFFFFF  }
0xb3: {  	[dreg:$0x0] =	wrdreg $0x60  }
0xb4: {  	[dreg:$0x2] =	wrdreg s24  }
0xb5: {  	[dreg:$0x3] =	wrdreg s16  }
0xb6: {  	[dreg:$0x4] =	wrdreg $0x9  }
0xb7: {  	_ =	task.clear_ibuf [dreg:s7], $0x5FFFF;
	_ =	strace $0x90000046  }
0xb8: {  	s29 =	simm.s32 $0x9;
	_ =	strace $0x80000048  }
0xb9: {  	_ =	swait.ge [sflag:s29], $0x1  }
0xba: {  	[sflag:s29] =	ssyncadd.s32 $0xFFFFFFFF  }
0xbb: {  	_ =	strace $0x90000048  }
0xbc: {  	_ =	sfence  }
0xbd: {  	s30 =	sld [smem:$0x0];
	_ =	sdelay $0x2  }
0xbe: {  	s31 =	sshll.u32 s1, $0xD;
	s1 =	sshrl.u32 s1, $0x2  }
0xbf: {  	s3 =	sand.u32 $0x4000, s31;
	s1 =	sadd.s32 s1, s30  }
0xc0: {  	s0 =	sor.u32 s3, s0;
	s1 =	sshll.u32 s1, $0x11  }
0xc1: {  	s0 =	sor.u32 s1, s0  }
0xc2: {  	s0 =	sadd.s32 $0x8F2B, s0  }
0xc3: {  	[sflag:s0] =	ssyncadd.remote.s32 $0x1  }
0xc4: {  	_ =	sfence.sel $0xFFFF  }
0xc5: {  	[dreg:$0x0] =	wrdreg $0xFFFFFFFF;
	(pc) =	sbr.abs _section_cstart, $3  }
0xc6: {  	[dreg:$0x1] =	wrdreg $0xFFFFFFFF  }
0xc7: {  	_ =	task.clear_ibuf [dreg:s7], $0x2FFFF;
	_ =	strace $0x9FFFFFFF  }
0xc8: {  	(tm) =	ssettm $0x7FFFFFFF  }
0xc9: {  	_ =	shalt  }
tec
execute0_lowered:
.L_overlay_start_1:
0x0: {  	(tag) =	ssettag $0x1  }
0x1: {  	s4 =	rddreg [dreg:$0x0]  }
0x2: {  	s6 =	rddreg [dreg:$0x1]  }
0x3: {  	s0 =	rddreg [dreg:$0x2];
	s2 =	simm.s32 $0x0;
	s1 =	stileid.u32  }
0x4: {  	s3 =	srdreg.scid;
	[smem:$0x7FF] =	sst s2  }
0x5: {  	s5 =	sshll.u32 s1, $0x10;
	s7 =	sand.u32 $0x1, s3;
	s3 =	sadd.s32 $0x1C00, s4  }
0x6: {  	s9 =	sshll.u32 s1, $0xC;
	_ =	strace $0x80000047;
	s5 =	sadd.s32 s5, s4  }
0x7: {  	s29 =	ssub.s32 $0x2, s7;
	s10 =	sshll.u32 s7, $0xB;
	s7 =	sshll.u32 s7, $0xF  }
0x8: {  	s8 =	sshrl.u32 s29, $0x1;
	s30 =	sor.u32 s10, s9;
	s5 =	sadd.s32 s7, s5  }
0x9: {  	s7 =	simm.s32 $0x2;
	s9 =	simm.s32 $0x1;
	s10 =	simm.s32 $0x0  }
0xa: {  	s4 =	ssub.s32 s29, s8;
	s31 =	sshrl.u32 s30, $0x3;
	s5 =	sadd.s32 $0x81C00, s5  }
0xb: {  	s8 =	simm.s32 $0x80;
	s4 =	smax.u32 s4, $0x1;
	s6 =	sadd.s32 s31, s6  }
.LBB2_1:
0xc: {  	s11 =	sadd.s32 $0x0, s6  }
0xd: {  	[tilespmem:s2], [sflag:$0x2] =	stream.linear.gather [hbm4b:s11+s2], $0x80, $0x38;
	[tilespmem:$0x4080] =	vst v63  }
0xe: {  	_ =	swait.ge [sflag:s7], $0x80  }
0xf: {  	[sflag:s7] =	ssyncset.done $0x0  }
0x10: {  	[sflag:s7] =	ssyncadd.s32 $0xFFFFFF80  }
0x11: {  	[tilespmem:s8], [sflag:$0x1] =	stream.indirect.gather [hbm4b:s3+s8], $0x80, s2, s8, $0xb8;
	[tilespmem:$0x4080] =	vst v63  }
0x12: {  	_ =	swait.ge [sflag:s9], $0x4000  }
0x13: {  	[sflag:s9] =	ssyncset.done $0x0  }
0x14: {  	[sflag:s9] =	ssyncadd.s32 $0xFFFFC000  }
0x15: {  	[hbm4b:s5+s2] =	stream.linear.scatter [tilespmem:s8], [sflag:$0x2], $0x4000, $0x38;
	[tilespmem:$0x4080] =	vst v63  }
0x16: {  	s12 =	simm.s32 $0x10;
	_ =	swait.ge [sflag:s7], $0x4000  }
0x17: {  	s13 =	simm.s32 $0x20;
	s11 =	sadd.s32 $0x800, s5;
	[sflag:s7] =	ssyncset.done $0x0  }
.LBB2_2:
0x18: {  	s14 =	sadd.s32 s12, s6  }
0x19: {  	[sflag:s7] =	ssyncadd.s32 $0xFFFFC000;
	s12 =	smov.u32 s13;
	s15 =	sadd.s32 $0x10, s13  }
0x1a: {  	[tilespmem:s2], [sflag:$0x2] =	stream.linear.gather [hbm4b:s14+s2], $0x80, $0x38;
	[tilespmem:$0x4080] =	vst v63  }
0x1b: {  	p0 =	sne.s32 s13, $0xF0;
	_ =	swait.ge [sflag:s7], $0x80  }
0x1c: {  	[sflag:s7] =	ssyncset.done $0x0  }
0x1d: {  	[sflag:s7] =	ssyncadd.s32 $0xFFFFFF80  }
0x1e: {  	[tilespmem:s8], [sflag:$0x1] =	stream.indirect.gather [hbm4b:s3+s8], $0x80, s2, s8, $0xb8;
	[tilespmem:$0x4080] =	vst v63  }
0x1f: {  	_ =	swait.ge [sflag:s9], $0x4000  }
.Ltmp0:
0x20: {  	[sflag:s9] =	ssyncset.done $0x0;
	(pc) =	sbr.rel @p0 .LBB2_2-.Ltmp0, $4  }
0x21: {  	[sflag:s9] =	ssyncadd.s32 $0xFFFFC000  }
0x22: {  	[hbm4b:s11+s2] =	stream.linear.scatter [tilespmem:s8], [sflag:$0x2], $0x4000, $0x38;
	[tilespmem:$0x4080] =	vst v63  }
0x23: {  	_ =	swait.ge [sflag:s7], $0x4000  }
0x24: {  	s13 =	smov.u32 s15;
	s11 =	sadd.s32 $0x800, s11;
	[sflag:s7] =	ssyncset.done $0x0  }
0x25: {  	s12 =	sadd.s32 s12, s6;
	[sflag:s7] =	ssyncadd.s32 $0xFFFFC000  }
0x26: {  	[tilespmem:s2], [sflag:$0x2] =	stream.linear.gather [hbm4b:s12+s2], $0x80, $0x38;
	[tilespmem:$0x4080] =	vst v63  }
0x27: {  	_ =	swait.ge [sflag:s7], $0x80  }
0x28: {  	[sflag:s7] =	ssyncset.done $0x0  }
0x29: {  	[sflag:s7] =	ssyncadd.s32 $0xFFFFFF80  }
0x2a: {  	[tilespmem:s8], [sflag:$0x1] =	stream.indirect.gather [hbm4b:s3+s8], $0x80, s2, s8, $0xb8;
	[tilespmem:$0x4080] =	vst v63  }
0x2b: {  	s10 =	sadd.s32 $0x1, s10;
	_ =	swait.ge [sflag:s9], $0x4000  }
0x2c: {  	p0 =	sne.s32 s10, s4;
	[sflag:s9] =	ssyncset.done $0x0  }
.Ltmp1:
0x2d: {  	[sflag:s9] =	ssyncadd.s32 $0xFFFFC000;
	(pc) =	sbr.rel @p0 .LBB2_1-.Ltmp1, $4  }
0x2e: {  	[hbm4b:s11+s2] =	stream.linear.scatter [tilespmem:s8], [sflag:$0x2], $0x4000, $0x38;
	[tilespmem:$0x4080] =	vst v63  }
0x2f: {  	_ =	swait.ge [sflag:s7], $0x4000  }
0x30: {  	[sflag:s7] =	ssyncset.done $0x0  }
0x31: {  	[sflag:s7] =	ssyncadd.s32 $0xFFFFC000  }
0x32: {  	_ =	sfence.sel $0x180000  }
0x33: {  	[bflag:$0x0] =	sbarrier.arrive $0xFFFF  }
0x34: {  	p0 =	sne.s32 s1, $0x0;
	_ =	strace $0x90000047  }
0x35: {  	s0 =	sadd.s32 @!p0 $0x100000, s0;
	[bflag:$0x2] =	sbarrier.arrive $0xFFFF  }
0x36: {  	[sflag:s0] =	ssyncadd.tile.s32 @!p0 $0x1;
	_ =	shalt  }
.Lfunc_end2:
_tile_overlayer_lowered:
.L_overlay_start_2:
0x37: {  	(tag) =	ssettag $0x2  }
0x38: {  	s0 =	rddreg [dreg:$0x0];
	s2 =	stileid.u32  }
0x39: {  	s1 =	rddreg [dreg:$0x1];
	p0 =	sne.s32 s2, $0x0  }
0x3a: {  	s3 =	rddreg [dreg:$0x2];
	[bflag:$0x3] =	sbarrier.arrive $0xFFFF;
	s2 =	simm.s32 @!p0 $0x1C02  }
0x3b: {  	[timem:s3], [sflag:s2] =	dma.local @!p0 [hbm:s0], s1  }
0x3c: {  	s0 =	simm.s32 @!p0 $0x2  }
0x3d: {  	_ =	swait.ge @!p0 [sflag:s0], s1  }
0x3e: {  	s1 =	ssub.s32 @!p0 $0x0, s1;
	[sflag:s0] =	ssyncset.done @!p0 $0x0  }
0x3f: {  	[sflag:s0] =	ssyncadd.s32 @!p0 s1  }
0x40: {  	[bflag:$0x3] =	sbarrier.arrive $0xFFFF  }
0x41: {  	_ =	shalt  }

</sc_bundles>
